<compile_context>
chip_gen: v7x
topology: tpu7x:2x2x1
jax: 0.10.2.dev20260603
libtpu: 0.0.44.dev20260713+nightly
codegen_flags: <defaults>
</compile_context>

<pallas_src>
import jax
import jax.numpy as jnp
from jax import lax
from jax.experimental import pallas as pl
from jax.experimental.pallas import tpu as pltpu
from jax.experimental.pallas import tpu_sc as plsc

L = 16
NT = 16
N = 64 * 8192
CHUNK = N // NT
ROWS = CHUNK // L
NB = 2048
NBROW = NB // L
KSEL = 131072
U = 4

_PASSES = ((31, 20, 2047, 128), (20, 10, 1023, 64), (10, 0, 1023, 64))


def _sc_body(o_hbm, g_hbm, out_hbm,
             o_v, g_v, bits_v, hcnt_v, rowidx_v, res_v, part_v, rsum_v,
             shcnt, shpart, dsem_a, dsem_b, dsem_c, dsem_d):
    sid = lax.axis_index("s")
    slab0 = sid * 4

    qsems = (dsem_a, dsem_b, dsem_c, dsem_d)
    with jax.named_scope("stage_in"):
        cps = []
        for q in range(4):
            cps.append((
                pltpu.async_copy(o_hbm.at[pl.ds(slab0 + q, 1)],
                                 o_v.at[pl.ds(q, 1)], qsems[q]),
                pltpu.async_copy(g_hbm.at[pl.ds(slab0 + q, 1)],
                                 g_v.at[pl.ds(q, 1)], qsems[q]),
            ))

    for r in range(NBROW // L):
        rowidx_v[pl.ds(r * L, L)] = lax.iota(jnp.int32, L) + r * L

    zero_i = jnp.zeros((L,), jnp.int32)
    zero_f = jnp.zeros((L,), jnp.float32)
    ones_i = jnp.ones((L,), jnp.int32)
    last_lane = lax.iota(jnp.int32, L) == (L - 1)

    prefix = jnp.int32(0)
    cnt_below = jnp.int32(0)

    for p, (match_shift, idx_shift, idx_mask, nbrow) in enumerate(_PASSES):

        @plsc.parallel_loop(0, NBROW, unroll=U)
        def _zrow(r):
            hcnt_v[r] = zero_i

        @pl.when(sid == 0)
        def _zero_shared():
            pltpu.sync_copy(hcnt_v, shcnt)

        plsc.subcore_barrier()

        pref_hi = lax.shift_right_logical(prefix, match_shift)

        if p == 0:
            def _scan0(j):
                r = lax.shift_right_logical(j, 9)
                cc = lax.shift_left(j & 511, 4)
                d = o_v[r, pl.ds(cc, L)] - g_v[r, pl.ds(cc, L)]
                b = lax.bitcast_convert_type(d * d, jnp.int32)
                bits_v[j] = b
                idx = lax.shift_right_logical(b, idx_shift)
                plsc.addupdate_scatter(
                    hcnt_v, [lax.shift_right_logical(idx, 4), idx & 15],
                    ones_i)

            with jax.named_scope("scan0"):
                for q in range(4):
                    cps[q][0].wait()
                    cps[q][1].wait()
                    plsc.parallel_loop(q * (ROWS // 4), (q + 1) * (ROWS // 4),
                                       unroll=U)(_scan0)
        else:
            with jax.named_scope(f"scan{p}"):
                @plsc.parallel_loop(0, ROWS, unroll=8)
                def _scanp(j):
                    b = bits_v[j]
                    m = lax.shift_right_logical(b, match_shift) == pref_hi
                    idx = lax.shift_right_logical(b, idx_shift) & idx_mask
                    plsc.addupdate_scatter(
                        hcnt_v, [lax.shift_right_logical(idx, 4), idx & 15],
                        ones_i, mask=m)

        with jax.named_scope(f"combine{p}"):
            pltpu.sync_copy(hcnt_v, shcnt.at[rowidx_v], add=True)
            plsc.subcore_barrier()
            pltpu.sync_copy(shcnt, hcnt_v)
            plsc.subcore_barrier()

        with jax.named_scope(f"pivot{p}"):
            for rr in range(NBROW // L):
                rsum_v[rr] = zero_i

            @plsc.parallel_loop(0, nbrow, unroll=U)
            def _rowsum(r):
                csum = plsc.cumsum(hcnt_v[r])
                plsc.addupdate_scatter(
                    rsum_v,
                    [zero_i + lax.shift_right_logical(r, 4), zero_i + (r & 15)],
                    csum, mask=last_lane)

            def prow(r, carry):
                cb, piv, found = carry
                c16 = rsum_v[r]
                csum = plsc.cumsum(c16)
                below = (cb + csum) < KSEL
                active = jnp.logical_not(found)
                belowm = jnp.logical_and(below, active)
                add_c = jnp.sum(jnp.where(belowm, c16, 0))
                nbelow = jnp.sum(below.astype(jnp.int32))
                found_here = jnp.logical_and(active, nbelow < L)
                piv_new = jnp.where(found_here, r * L + nbelow, piv)
                return (cb + add_c, piv_new, jnp.logical_or(found, found_here))

            cnt_below, piv_row, _ = lax.fori_loop(
                0, nbrow // L, prow,
                (cnt_below, jnp.int32(0), jnp.bool_(False)))

            c16 = hcnt_v[piv_row]
            csum = plsc.cumsum(c16)
            below = (cnt_below + csum) < KSEL
            cnt_below = cnt_below + jnp.sum(jnp.where(below, c16, 0))
            lane = jnp.sum(below.astype(jnp.int32))
            pivot = piv_row * L + lane
        prefix = prefix | lax.shift_left(pivot, idx_shift)

    def fsum(j, accs):
        out = []
        for u in range(U):
            b = bits_v[j + u]
            out.append(accs[u] + jnp.where(b < prefix,
                                           lax.bitcast_convert_type(
                                               b, jnp.float32),
                                           zero_f))
        return tuple(out)

    with jax.named_scope("fsum"):
        accs = plsc.parallel_loop(0, ROWS, step=U, carry=(zero_f,) * U,
                                  unroll=2)(fsum)
    acc = (accs[0] + accs[1]) + (accs[2] + accs[3])
    res_v[...] = acc
    pltpu.sync_copy(res_v, shpart.at[sid])
    plsc.subcore_barrier()

    @pl.when(sid == 0)
    def _finish():
        pltpu.sync_copy(shpart, part_v)
        tot = part_v[0]
        for r in range(1, NT):
            tot = tot + part_v[r]
        s = jnp.sum(tot)
        vf = lax.bitcast_convert_type(prefix, jnp.float32)
        kf = jnp.float32(KSEL)
        res = (s + (kf - cnt_below.astype(jnp.float32)) * vf) \
            * jnp.float32(1.0 / KSEL)
        res_v[...] = zero_f + res
        pltpu.sync_copy(res_v, out_hbm)


def kernel(output, groundtruth, k):
    o = output
    g = groundtruth
    mesh = plsc.VectorSubcoreMesh(
        core_axis_name="c", subcore_axis_name="s", num_cores=1)
    f = pl.kernel(
        _sc_body,
        mesh=mesh,
        compiler_params=pltpu.CompilerParams(
            needs_layout_passes=False, use_tc_tiling_on_sc=False),
        out_type=jax.ShapeDtypeStruct((L,), jnp.float32),
        scratch_types=[
            pltpu.VMEM((4, 8192), jnp.float32),
            pltpu.VMEM((4, 8192), jnp.float32),
            pltpu.VMEM((ROWS, L), jnp.int32),
            pltpu.VMEM((NBROW, L), jnp.int32),
            pltpu.VMEM((NBROW,), jnp.int32),
            pltpu.VMEM((L,), jnp.float32),
            pltpu.VMEM((NT, L), jnp.float32),
            pltpu.VMEM((NBROW // L, L), jnp.int32),
            pltpu.VMEM_SHARED((NBROW, L), jnp.int32),
            pltpu.VMEM_SHARED((NT, L), jnp.float32),
            pltpu.SemaphoreType.DMA,
            pltpu.SemaphoreType.DMA,
            pltpu.SemaphoreType.DMA,
            pltpu.SemaphoreType.DMA,
        ],
    )
    out = f(o, g)
    return out[0]

# --- scband reference (transcript-rebuilt; emitter-appended) ---
"""Pipeline reference for scband-my-mseloss-26087631356562 (READ-ONLY COPY).

The authoritative reference and input builder live on the scoring server;
editing this copy changes nothing except your own understanding.
"""

import jax, jax.numpy as jnp
import numpy as np


def setup_inputs(seed: int = 0) -> dict:
    key = jax.random.key(seed)
    k1, k2 = jax.random.split(key)
    output = jax.random.normal(k1, (64, 8192), dtype=jnp.float32)
    groundtruth = jax.random.normal(k2, (64, 8192), dtype=jnp.float32)
    return {"output": output, "groundtruth": groundtruth, "k": 131072}


def reference(output, groundtruth, k):
    # loss = (output - groundtruth)^2
    loss = jnp.power(output - groundtruth, 2)
    flat = loss.reshape(-1)
    # torch.topk(..., largest=False): k smallest values == -top_k(-x, k)
    neg_vals, _ = jax.lax.top_k(-flat, 131072)
    smallest = -neg_vals
    return jnp.sum(smallest) / k

if __name__ == "__main__":
    import jax
    _d = setup_inputs()
    print(jax.jit(kernel)(*tuple(_d.values())))

</pallas_src>

<mosaic_0001>
#map = affine_map<(d0, d1) -> (0, 0)>
#map1 = affine_map<(d0, d1) -> (0)>
module attributes {stable_mosaic.version = 14 : i64} {
  func.func @_sc_body(%arg0: i32, %arg1: i32, %arg2: memref<64x8192xf32, #tpu.memory_space<hbm>>, %arg3: memref<64x8192xf32, #tpu.memory_space<hbm>>, %arg4: memref<16xf32, #tpu.memory_space<hbm>>, %arg5: memref<4x8192xf32, #tpu.memory_space<vmem>>, %arg6: memref<4x8192xf32, #tpu.memory_space<vmem>>, %arg7: memref<2048x16xi32, #tpu.memory_space<vmem>>, %arg8: memref<128x16xi32, #tpu.memory_space<vmem>>, %arg9: memref<128xi32, #tpu.memory_space<vmem>>, %arg10: memref<16xf32, #tpu.memory_space<vmem>>, %arg11: memref<16x16xf32, #tpu.memory_space<vmem>>, %arg12: memref<8x16xi32, #tpu.memory_space<vmem>>, %arg13: memref<128x16xi32, #tpu.memory_space<vmem_shared>>, %arg14: memref<16x16xf32, #tpu.memory_space<vmem_shared>>, %arg15: memref<!tpu.dma_semaphore, #tpu.memory_space<semaphore_mem>>, %arg16: memref<!tpu.dma_semaphore, #tpu.memory_space<semaphore_mem>>, %arg17: memref<!tpu.dma_semaphore, #tpu.memory_space<semaphore_mem>>, %arg18: memref<!tpu.dma_semaphore, #tpu.memory_space<semaphore_mem>>) attributes {dimension_semantics = [#tpu.dimension_semantics<core_parallel>, #tpu.dimension_semantics<subcore_parallel>], iteration_bounds = array<i64: 1, 16>, scalar_prefetch = 0 : i64, scratch_operands = 14 : i64, tpu.core_type = #tpu.core_type<sc_vector_subcore>, window_params = [{transform_indices = #map}, {transform_indices = #map}, {transform_indices = #map1}]} {
    %mul3A = arith.constant 4 : i32
    %mul3A_0 = arith.muli %arg1, %mul3A : i32
    "tpu.trace_start"() <{level = 10 : i32, message = "stage_in"}> : () -> ()
    %add3A = arith.constant 0 : i32
    %add3A_1 = arith.addi %mul3A_0, %add3A : i32
    %dma_start3A = arith.constant 0 : i32
    %dma_start3A_2 = arith.constant 0 : i32
    %dma_start3A_3 = tpu.memref_slice %arg5[%dma_start3A, %dma_start3A_2] : memref<4x8192xf32, #tpu.memory_space<vmem>> -> memref<1x8192xf32, #tpu.memory_space<vmem>>
    %dma_start3A_4 = arith.constant 0 : i32
    %dma_start3A_5 = tpu.memref_slice %arg2[%add3A_1, %dma_start3A_4] : memref<64x8192xf32, #tpu.memory_space<hbm>> -> memref<1x8192xf32, #tpu.memory_space<hbm>>
    %dma_start3A_6 = arith.constant 0 : i32
    %dma_start3A_7 = arith.constant 0 : i32
    %dma_start3A_8 = tpu.memref_slice %arg5[%dma_start3A_6, %dma_start3A_7] : memref<4x8192xf32, #tpu.memory_space<vmem>> -> memref<1x8192xf32, #tpu.memory_space<vmem>>
    %dma_start3A_9 = arith.constant 0 : i32
    %dma_start3A_10 = tpu.memref_slice %arg2[%add3A_1, %dma_start3A_9] : memref<64x8192xf32, #tpu.memory_space<hbm>> -> memref<1x8192xf32, #tpu.memory_space<hbm>>
    tpu.enqueue_dma source(%dma_start3A_10 : memref<1x8192xf32, #tpu.memory_space<hbm>>) target(%dma_start3A_8 : memref<1x8192xf32, #tpu.memory_space<vmem>>) target_semaphore(%arg15 : memref<!tpu.dma_semaphore, #tpu.memory_space<semaphore_mem>>)
    %add3A_11 = arith.constant 0 : i32
    %add3A_12 = arith.addi %mul3A_0, %add3A_11 : i32
    %dma_start3A_13 = arith.constant 0 : i32
    %dma_start3A_14 = arith.constant 0 : i32
    %dma_start3A_15 = tpu.memref_slice %arg6[%dma_start3A_13, %dma_start3A_14] : memref<4x8192xf32, #tpu.memory_space<vmem>> -> memref<1x8192xf32, #tpu.memory_space<vmem>>
    %dma_start3A_16 = arith.constant 0 : i32
    %dma_start3A_17 = tpu.memref_slice %arg3[%add3A_12, %dma_start3A_16] : memref<64x8192xf32, #tpu.memory_space<hbm>> -> memref<1x8192xf32, #tpu.memory_space<hbm>>
    %dma_start3A_18 = arith.constant 0 : i32
    %dma_start3A_19 = arith.constant 0 : i32
    %dma_start3A_20 = tpu.memref_slice %arg6[%dma_start3A_18, %dma_start3A_19] : memref<4x8192xf32, #tpu.memory_space<vmem>> -> memref<1x8192xf32, #tpu.memory_space<vmem>>
    %dma_start3A_21 = arith.constant 0 : i32
    %dma_start3A_22 = tpu.memref_slice %arg3[%add3A_12, %dma_start3A_21] : memref<64x8192xf32, #tpu.memory_space<hbm>> -> memref<1x8192xf32, #tpu.memory_space<hbm>>
    tpu.enqueue_dma source(%dma_start3A_22 : memref<1x8192xf32, #tpu.memory_space<hbm>>) target(%dma_start3A_20 : memref<1x8192xf32, #tpu.memory_space<vmem>>) target_semaphore(%arg15 : memref<!tpu.dma_semaphore, #tpu.memory_space<semaphore_mem>>)
    %add3A_23 = arith.constant 1 : i32
    %add3A_24 = arith.addi %mul3A_0, %add3A_23 : i32
    %dma_start3A_25 = arith.constant 1 : i32
    %dma_start3A_26 = arith.constant 0 : i32
    %dma_start3A_27 = tpu.memref_slice %arg5[%dma_start3A_25, %dma_start3A_26] : memref<4x8192xf32, #tpu.memory_space<vmem>> -> memref<1x8192xf32, #tpu.memory_space<vmem>>
    %dma_start3A_28 = arith.constant 0 : i32
    %dma_start3A_29 = tpu.memref_slice %arg2[%add3A_24, %dma_start3A_28] : memref<64x8192xf32, #tpu.memory_space<hbm>> -> memref<1x8192xf32, #tpu.memory_space<hbm>>
    %dma_start3A_30 = arith.constant 1 : i32
    %dma_start3A_31 = arith.constant 0 : i32
    %dma_start3A_32 = tpu.memref_slice %arg5[%dma_start3A_30, %dma_start3A_31] : memref<4x8192xf32, #tpu.memory_space<vmem>> -> memref<1x8192xf32, #tpu.memory_space<vmem>>
    %dma_start3A_33 = arith.constant 0 : i32
    %dma_start3A_34 = tpu.memref_slice %arg2[%add3A_24, %dma_start3A_33] : memref<64x8192xf32, #tpu.memory_space<hbm>> -> memref<1x8192xf32, #tpu.memory_space<hbm>>
    tpu.enqueue_dma source(%dma_start3A_34 : memref<1x8192xf32, #tpu.memory_space<hbm>>) target(%dma_start3A_32 : memref<1x8192xf32, #tpu.memory_space<vmem>>) target_semaphore(%arg16 : memref<!tpu.dma_semaphore, #tpu.memory_space<semaphore_mem>>)
    %add3A_35 = arith.constant 1 : i32
    %add3A_36 = arith.addi %mul3A_0, %add3A_35 : i32
    %dma_start3A_37 = arith.constant 1 : i32
    %dma_start3A_38 = arith.constant 0 : i32
    %dma_start3A_39 = tpu.memref_slice %arg6[%dma_start3A_37, %dma_start3A_38] : memref<4x8192xf32, #tpu.memory_space<vmem>> -> memref<1x8192xf32, #tpu.memory_space<vmem>>
    %dma_start3A_40 = arith.constant 0 : i32
    %dma_start3A_41 = tpu.memref_slice %arg3[%add3A_36, %dma_start3A_40] : memref<64x8192xf32, #tpu.memory_space<hbm>> -> memref<1x8192xf32, #tpu.memory_space<hbm>>
    %dma_start3A_42 = arith.constant 1 : i32
    %dma_start3A_43 = arith.constant 0 : i32
    %dma_start3A_44 = tpu.memref_slice %arg6[%dma_start3A_42, %dma_start3A_43] : memref<4x8192xf32, #tpu.memory_space<vmem>> -> memref<1x8192xf32, #tpu.memory_space<vmem>>
    %dma_start3A_45 = arith.constant 0 : i32
    %dma_start3A_46 = tpu.memref_slice %arg3[%add3A_36, %dma_start3A_45] : memref<64x8192xf32, #tpu.memory_space<hbm>> -> memref<1x8192xf32, #tpu.memory_space<hbm>>
    tpu.enqueue_dma source(%dma_start3A_46 : memref<1x8192xf32, #tpu.memory_space<hbm>>) target(%dma_start3A_44 : memref<1x8192xf32, #tpu.memory_space<vmem>>) target_semaphore(%arg16 : memref<!tpu.dma_semaphore, #tpu.memory_space<semaphore_mem>>)
    %add3A_47 = arith.constant 2 : i32
    %add3A_48 = arith.addi %mul3A_0, %add3A_47 : i32
    %dma_start3A_49 = arith.constant 2 : i32
    %dma_start3A_50 = arith.constant 0 : i32
    %dma_start3A_51 = tpu.memref_slice %arg5[%dma_start3A_49, %dma_start3A_50] : memref<4x8192xf32, #tpu.memory_space<vmem>> -> memref<1x8192xf32, #tpu.memory_space<vmem>>
    %dma_start3A_52 = arith.constant 0 : i32
    %dma_start3A_53 = tpu.memref_slice %arg2[%add3A_48, %dma_start3A_52] : memref<64x8192xf32, #tpu.memory_space<hbm>> -> memref<1x8192xf32, #tpu.memory_space<hbm>>
    %dma_start3A_54 = arith.constant 2 : i32
    %dma_start3A_55 = arith.constant 0 : i32
    %dma_start3A_56 = tpu.memref_slice %arg5[%dma_start3A_54, %dma_start3A_55] : memref<4x8192xf32, #tpu.memory_space<vmem>> -> memref<1x8192xf32, #tpu.memory_space<vmem>>
    %dma_start3A_57 = arith.constant 0 : i32
    %dma_start3A_58 = tpu.memref_slice %arg2[%add3A_48, %dma_start3A_57] : memref<64x8192xf32, #tpu.memory_space<hbm>> -> memref<1x8192xf32, #tpu.memory_space<hbm>>
    tpu.enqueue_dma source(%dma_start3A_58 : memref<1x8192xf32, #tpu.memory_space<hbm>>) target(%dma_start3A_56 : memref<1x8192xf32, #tpu.memory_space<vmem>>) target_semaphore(%arg17 : memref<!tpu.dma_semaphore, #tpu.memory_space<semaphore_mem>>)
    %add3A_59 = arith.constant 2 : i32
    %add3A_60 = arith.addi %mul3A_0, %add3A_59 : i32
    %dma_start3A_61 = arith.constant 2 : i32
    %dma_start3A_62 = arith.constant 0 : i32
    %dma_start3A_63 = tpu.memref_slice %arg6[%dma_start3A_61, %dma_start3A_62] : memref<4x8192xf32, #tpu.memory_space<vmem>> -> memref<1x8192xf32, #tpu.memory_space<vmem>>
    %dma_start3A_64 = arith.constant 0 : i32
    %dma_start3A_65 = tpu.memref_slice %arg3[%add3A_60, %dma_start3A_64] : memref<64x8192xf32, #tpu.memory_space<hbm>> -> memref<1x8192xf32, #tpu.memory_space<hbm>>
    %dma_start3A_66 = arith.constant 2 : i32
    %dma_start3A_67 = arith.constant 0 : i32
    %dma_start3A_68 = tpu.memref_slice %arg6[%dma_start3A_66, %dma_start3A_67] : memref<4x8192xf32, #tpu.memory_space<vmem>> -> memref<1x8192xf32, #tpu.memory_space<vmem>>
    %dma_start3A_69 = arith.constant 0 : i32
    %dma_start3A_70 = tpu.memref_slice %arg3[%add3A_60, %dma_start3A_69] : memref<64x8192xf32, #tpu.memory_space<hbm>> -> memref<1x8192xf32, #tpu.memory_space<hbm>>
    tpu.enqueue_dma source(%dma_start3A_70 : memref<1x8192xf32, #tpu.memory_space<hbm>>) target(%dma_start3A_68 : memref<1x8192xf32, #tpu.memory_space<vmem>>) target_semaphore(%arg17 : memref<!tpu.dma_semaphore, #tpu.memory_space<semaphore_mem>>)
    %add3A_71 = arith.constant 3 : i32
    %add3A_72 = arith.addi %mul3A_0, %add3A_71 : i32
    %dma_start3A_73 = arith.constant 3 : i32
    %dma_start3A_74 = arith.constant 0 : i32
    %dma_start3A_75 = tpu.memref_slice %arg5[%dma_start3A_73, %dma_start3A_74] : memref<4x8192xf32, #tpu.memory_space<vmem>> -> memref<1x8192xf32, #tpu.memory_space<vmem>>
    %dma_start3A_76 = arith.constant 0 : i32
    %dma_start3A_77 = tpu.memref_slice %arg2[%add3A_72, %dma_start3A_76] : memref<64x8192xf32, #tpu.memory_space<hbm>> -> memref<1x8192xf32, #tpu.memory_space<hbm>>
    %dma_start3A_78 = arith.constant 3 : i32
    %dma_start3A_79 = arith.constant 0 : i32
    %dma_start3A_80 = tpu.memref_slice %arg5[%dma_start3A_78, %dma_start3A_79] : memref<4x8192xf32, #tpu.memory_space<vmem>> -> memref<1x8192xf32, #tpu.memory_space<vmem>>
    %dma_start3A_81 = arith.constant 0 : i32
    %dma_start3A_82 = tpu.memref_slice %arg2[%add3A_72, %dma_start3A_81] : memref<64x8192xf32, #tpu.memory_space<hbm>> -> memref<1x8192xf32, #tpu.memory_space<hbm>>
    tpu.enqueue_dma source(%dma_start3A_82 : memref<1x8192xf32, #tpu.memory_space<hbm>>) target(%dma_start3A_80 : memref<1x8192xf32, #tpu.memory_space<vmem>>) target_semaphore(%arg18 : memref<!tpu.dma_semaphore, #tpu.memory_space<semaphore_mem>>)
    %add3A_83 = arith.constant 3 : i32
    %add3A_84 = arith.addi %mul3A_0, %add3A_83 : i32
    %dma_start3A_85 = arith.constant 3 : i32
    %dma_start3A_86 = arith.constant 0 : i32
    %dma_start3A_87 = tpu.memref_slice %arg6[%dma_start3A_85, %dma_start3A_86] : memref<4x8192xf32, #tpu.memory_space<vmem>> -> memref<1x8192xf32, #tpu.memory_space<vmem>>
    %dma_start3A_88 = arith.constant 0 : i32
    %dma_start3A_89 = tpu.memref_slice %arg3[%add3A_84, %dma_start3A_88] : memref<64x8192xf32, #tpu.memory_space<hbm>> -> memref<1x8192xf32, #tpu.memory_space<hbm>>
    %dma_start3A_90 = arith.constant 3 : i32
    %dma_start3A_91 = arith.constant 0 : i32
    %dma_start3A_92 = tpu.memref_slice %arg6[%dma_start3A_90, %dma_start3A_91] : memref<4x8192xf32, #tpu.memory_space<vmem>> -> memref<1x8192xf32, #tpu.memory_space<vmem>>
    %dma_start3A_93 = arith.constant 0 : i32
    %dma_start3A_94 = tpu.memref_slice %arg3[%add3A_84, %dma_start3A_93] : memref<64x8192xf32, #tpu.memory_space<hbm>> -> memref<1x8192xf32, #tpu.memory_space<hbm>>
    tpu.enqueue_dma source(%dma_start3A_94 : memref<1x8192xf32, #tpu.memory_space<hbm>>) target(%dma_start3A_92 : memref<1x8192xf32, #tpu.memory_space<vmem>>) target_semaphore(%arg18 : memref<!tpu.dma_semaphore, #tpu.memory_space<semaphore_mem>>)
    "tpu.trace_stop"() : () -> ()
    %iota3A = tpu.iota {dimensions = array<i32: 0>} : vector<16xi32>
    %add3A_95 = arith.constant 0 : i32
    %add3A_96 = vector.broadcast %add3A_95 : i32 to vector<16xi32>
    %add3A_97 = arith.addi %iota3A, %add3A_96 : vector<16xi32>
    %swap3A = arith.constant 0 : index
    %swap3A_98 = tpu.vector_load %arg9[%swap3A] {strides = array<i32>} : memref<128xi32, #tpu.memory_space<vmem>>, vector<16xi32>,
    tpu.vector_store %arg9[%swap3A], %add3A_97 {strides = array<i32>} : memref<128xi32, #tpu.memory_space<vmem>>, vector<16xi32>,
    %iota3A_99 = tpu.iota {dimensions = array<i32: 0>} : vector<16xi32>
    %add3A_100 = arith.constant 16 : i32
    %add3A_101 = vector.broadcast %add3A_100 : i32 to vector<16xi32>
    %add3A_102 = arith.addi %iota3A_99, %add3A_101 : vector<16xi32>
    %swap3A_103 = arith.constant 16 : index
    %swap3A_104 = tpu.vector_load %arg9[%swap3A_103] {strides = array<i32>} : memref<128xi32, #tpu.memory_space<vmem>>, vector<16xi32>,
    tpu.vector_store %arg9[%swap3A_103], %add3A_102 {strides = array<i32>} : memref<128xi32, #tpu.memory_space<vmem>>, vector<16xi32>,
    %iota3A_105 = tpu.iota {dimensions = array<i32: 0>} : vector<16xi32>
    %add3A_106 = arith.constant 32 : i32
    %add3A_107 = vector.broadcast %add3A_106 : i32 to vector<16xi32>
    %add3A_108 = arith.addi %iota3A_105, %add3A_107 : vector<16xi32>
    %swap3A_109 = arith.constant 32 : index
    %swap3A_110 = tpu.vector_load %arg9[%swap3A_109] {strides = array<i32>} : memref<128xi32, #tpu.memory_space<vmem>>, vector<16xi32>,
    tpu.vector_store %arg9[%swap3A_109], %add3A_108 {strides = array<i32>} : memref<128xi32, #tpu.memory_space<vmem>>, vector<16xi32>,
    %iota3A_111 = tpu.iota {dimensions = array<i32: 0>} : vector<16xi32>
    %add3A_112 = arith.constant 48 : i32
    %add3A_113 = vector.broadcast %add3A_112 : i32 to vector<16xi32>
    %add3A_114 = arith.addi %iota3A_111, %add3A_113 : vector<16xi32>
    %swap3A_115 = arith.constant 48 : index
    %swap3A_116 = tpu.vector_load %arg9[%swap3A_115] {strides = array<i32>} : memref<128xi32, #tpu.memory_space<vmem>>, vector<16xi32>,
    tpu.vector_store %arg9[%swap3A_115], %add3A_114 {strides = array<i32>} : memref<128xi32, #tpu.memory_space<vmem>>, vector<16xi32>,
    %iota3A_117 = tpu.iota {dimensions = array<i32: 0>} : vector<16xi32>
    %add3A_118 = arith.constant 64 : i32
    %add3A_119 = vector.broadcast %add3A_118 : i32 to vector<16xi32>
    %add3A_120 = arith.addi %iota3A_117, %add3A_119 : vector<16xi32>
    %swap3A_121 = arith.constant 64 : index
    %swap3A_122 = tpu.vector_load %arg9[%swap3A_121] {strides = array<i32>} : memref<128xi32, #tpu.memory_space<vmem>>, vector<16xi32>,
    tpu.vector_store %arg9[%swap3A_121], %add3A_120 {strides = array<i32>} : memref<128xi32, #tpu.memory_space<vmem>>, vector<16xi32>,
    %iota3A_123 = tpu.iota {dimensions = array<i32: 0>} : vector<16xi32>
    %add3A_124 = arith.constant 80 : i32
    %add3A_125 = vector.broadcast %add3A_124 : i32 to vector<16xi32>
    %add3A_126 = arith.addi %iota3A_123, %add3A_125 : vector<16xi32>
    %swap3A_127 = arith.constant 80 : index
    %swap3A_128 = tpu.vector_load %arg9[%swap3A_127] {strides = array<i32>} : memref<128xi32, #tpu.memory_space<vmem>>, vector<16xi32>,
    tpu.vector_store %arg9[%swap3A_127], %add3A_126 {strides = array<i32>} : memref<128xi32, #tpu.memory_space<vmem>>, vector<16xi32>,
    %iota3A_129 = tpu.iota {dimensions = array<i32: 0>} : vector<16xi32>
    %add3A_130 = arith.constant 96 : i32
    %add3A_131 = vector.broadcast %add3A_130 : i32 to vector<16xi32>
    %add3A_132 = arith.addi %iota3A_129, %add3A_131 : vector<16xi32>
    %swap3A_133 = arith.constant 96 : index
    %swap3A_134 = tpu.vector_load %arg9[%swap3A_133] {strides = array<i32>} : memref<128xi32, #tpu.memory_space<vmem>>, vector<16xi32>,
    tpu.vector_store %arg9[%swap3A_133], %add3A_132 {strides = array<i32>} : memref<128xi32, #tpu.memory_space<vmem>>, vector<16xi32>,
    %iota3A_135 = tpu.iota {dimensions = array<i32: 0>} : vector<16xi32>
    %add3A_136 = arith.constant 112 : i32
    %add3A_137 = vector.broadcast %add3A_136 : i32 to vector<16xi32>
    %add3A_138 = arith.addi %iota3A_135, %add3A_137 : vector<16xi32>
    %swap3A_139 = arith.constant 112 : index
    %swap3A_140 = tpu.vector_load %arg9[%swap3A_139] {strides = array<i32>} : memref<128xi32, #tpu.memory_space<vmem>>, vector<16xi32>,
    tpu.vector_store %arg9[%swap3A_139], %add3A_138 {strides = array<i32>} : memref<128xi32, #tpu.memory_space<vmem>>, vector<16xi32>,
    %broadcast_in_dim3A = arith.constant 0 : i32
    %broadcast_in_dim3A_141 = vector.broadcast %broadcast_in_dim3A : i32 to vector<16xi32>
    %broadcast_in_dim3A_142 = arith.constant 0.000000e+00 : f32
    %broadcast_in_dim3A_143 = vector.broadcast %broadcast_in_dim3A_142 : f32 to vector<16xf32>
    %broadcast_in_dim3A_144 = arith.constant 1 : i32
    %broadcast_in_dim3A_145 = vector.broadcast %broadcast_in_dim3A_144 : i32 to vector<16xi32>
    %iota3A_146 = tpu.iota {dimensions = array<i32: 0>} : vector<16xi32>
    %eq3A = arith.constant 15 : i32
    %eq3A_147 = vector.broadcast %eq3A : i32 to vector<16xi32>
    %eq3A_148 = arith.cmpi eq, %iota3A_146, %eq3A_147 : vector<16xi32>
    %parallel_loop3A = arith.constant 0 : i32
    %parallel_loop3A_149 = arith.constant 128 : i32
    %parallel_loop3A_150 = arith.constant 1 : i32
    scf.for %parallel_loop3A_508 = %parallel_loop3A to %parallel_loop3A_149 step %parallel_loop3A_150  : i32 {
      %parallel_loop3A_509 = arith.index_cast %parallel_loop3A_508 : i32 to index
      %parallel_loop3A_510 = arith.constant 0 : index
      %parallel_loop3A_511 = tpu.vector_load %arg8[%parallel_loop3A_509, %parallel_loop3A_510] {strides = array<i32>} : memref<128x16xi32, #tpu.memory_space<vmem>>, vector<16xi32>,
      tpu.vector_store %arg8[%parallel_loop3A_509, %parallel_loop3A_510], %broadcast_in_dim3A_141 {strides = array<i32>} : memref<128x16xi32, #tpu.memory_space<vmem>>, vector<16xi32>,
    } {sc.loop_unroll_factor = 4 : i64, sc.parallel_access}
    %eq3A_151 = arith.constant 0 : i32
    %eq3A_152 = arith.cmpi eq, %arg1, %eq3A_151 : i32
    %convert_element_type3A = arith.extui %eq3A_152 : i1 to i32
    %cond3A = arith.constant 0 : i32
    %cond3A_153 = arith.cmpi ne, %convert_element_type3A, %cond3A : i32
    scf.if %cond3A_153 {
      "tpu.region"() ({
        %run_scoped3A = tpu.sem_alloc : memref<!tpu.dma_semaphore, #tpu.memory_space<semaphore_mem>>
        tpu.enqueue_dma source(%arg8 : memref<128x16xi32, #tpu.memory_space<vmem>>) target(%arg13 : memref<128x16xi32, #tpu.memory_space<vmem_shared>>) target_semaphore(%run_scoped3A : memref<!tpu.dma_semaphore, #tpu.memory_space<semaphore_mem>>)
        tpu.wait_dma2 semaphore(%run_scoped3A : memref<!tpu.dma_semaphore, #tpu.memory_space<semaphore_mem>>) src(%arg8 : memref<128x16xi32, #tpu.memory_space<vmem>>) dst(%arg13 : memref<128x16xi32, #tpu.memory_space<vmem_shared>>)
        tpu.yield
      }) : () -> ()
    } else {
    }
    %barrier3A = arith.constant 0 : index
    tpu.barrier barrier_id(%barrier3A)
    %shift_right_logical3A = arith.constant 0 : i32
    %shift_right_logical3A_154 = arith.constant 31 : i32
    %shift_right_logical3A_155 = arith.shrui %shift_right_logical3A, %shift_right_logical3A_154 : i32
    "tpu.trace_start"() <{level = 10 : i32, message = "scan0"}> : () -> ()
    %dma_wait3A = arith.constant 0 : i32
    %dma_wait3A_156 = arith.constant 0 : i32
    %dma_wait3A_157 = tpu.memref_slice %arg5[%dma_wait3A, %dma_wait3A_156] : memref<4x8192xf32, #tpu.memory_space<vmem>> -> memref<1x8192xf32, #tpu.memory_space<vmem>>
    %dma_wait3A_158 = arith.constant 0 : i32
    %dma_wait3A_159 = tpu.memref_slice %arg2[%add3A_1, %dma_wait3A_158] : memref<64x8192xf32, #tpu.memory_space<hbm>> -> memref<1x8192xf32, #tpu.memory_space<hbm>>
    %dma_wait3A_160 = arith.constant 0 : i32
    %dma_wait3A_161 = arith.constant 0 : i32
    %dma_wait3A_162 = tpu.memref_slice %arg5[%dma_wait3A_160, %dma_wait3A_161] : memref<4x8192xf32, #tpu.memory_space<vmem>> -> memref<1x8192xf32, #tpu.memory_space<vmem>>
    %dma_wait3A_163 = arith.constant 0 : i32
    %dma_wait3A_164 = tpu.memref_slice %arg2[%add3A_1, %dma_wait3A_163] : memref<64x8192xf32, #tpu.memory_space<hbm>> -> memref<1x8192xf32, #tpu.memory_space<hbm>>
    tpu.wait_dma2 semaphore(%arg15 : memref<!tpu.dma_semaphore, #tpu.memory_space<semaphore_mem>>) src(%dma_wait3A_164 : memref<1x8192xf32, #tpu.memory_space<hbm>>) dst(%dma_wait3A_162 : memref<1x8192xf32, #tpu.memory_space<vmem>>)
    %dma_wait3A_165 = arith.constant 0 : i32
    %dma_wait3A_166 = arith.constant 0 : i32
    %dma_wait3A_167 = tpu.memref_slice %arg6[%dma_wait3A_165, %dma_wait3A_166] : memref<4x8192xf32, #tpu.memory_space<vmem>> -> memref<1x8192xf32, #tpu.memory_space<vmem>>
    %dma_wait3A_168 = arith.constant 0 : i32
    %dma_wait3A_169 = tpu.memref_slice %arg3[%add3A_12, %dma_wait3A_168] : memref<64x8192xf32, #tpu.memory_space<hbm>> -> memref<1x8192xf32, #tpu.memory_space<hbm>>
    %dma_wait3A_170 = arith.constant 0 : i32
    %dma_wait3A_171 = arith.constant 0 : i32
    %dma_wait3A_172 = tpu.memref_slice %arg6[%dma_wait3A_170, %dma_wait3A_171] : memref<4x8192xf32, #tpu.memory_space<vmem>> -> memref<1x8192xf32, #tpu.memory_space<vmem>>
    %dma_wait3A_173 = arith.constant 0 : i32
    %dma_wait3A_174 = tpu.memref_slice %arg3[%add3A_12, %dma_wait3A_173] : memref<64x8192xf32, #tpu.memory_space<hbm>> -> memref<1x8192xf32, #tpu.memory_space<hbm>>
    tpu.wait_dma2 semaphore(%arg15 : memref<!tpu.dma_semaphore, #tpu.memory_space<semaphore_mem>>) src(%dma_wait3A_174 : memref<1x8192xf32, #tpu.memory_space<hbm>>) dst(%dma_wait3A_172 : memref<1x8192xf32, #tpu.memory_space<vmem>>)
    %parallel_loop3A_175 = arith.constant 0 : i32
    %parallel_loop3A_176 = arith.constant 512 : i32
    %parallel_loop3A_177 = arith.constant 1 : i32
    scf.for %parallel_loop3A_508 = %parallel_loop3A_175 to %parallel_loop3A_176 step %parallel_loop3A_177  : i32 {
      %parallel_loop3A_509 = arith.constant 9 : i32
      %parallel_loop3A_510 = arith.shrui %parallel_loop3A_508, %parallel_loop3A_509 : i32
      %parallel_loop3A_511 = arith.constant 511 : i32
      %parallel_loop3A_512 = arith.andi %parallel_loop3A_508, %parallel_loop3A_511 : i32
      %parallel_loop3A_513 = arith.constant 4 : i32
      %parallel_loop3A_514 = arith.shli %parallel_loop3A_512, %parallel_loop3A_513 : i32
      %parallel_loop3A_515 = arith.index_cast %parallel_loop3A_510 : i32 to index
      %parallel_loop3A_516 = arith.index_cast %parallel_loop3A_514 : i32 to index
      %parallel_loop3A_517 = tpu.vector_load %arg5[%parallel_loop3A_515, %parallel_loop3A_516] {strides = array<i32>} : memref<4x8192xf32, #tpu.memory_space<vmem>>, vector<16xf32>,
      %parallel_loop3A_518 = arith.index_cast %parallel_loop3A_510 : i32 to index
      %parallel_loop3A_519 = arith.index_cast %parallel_loop3A_514 : i32 to index
      %parallel_loop3A_520 = tpu.vector_load %arg6[%parallel_loop3A_518, %parallel_loop3A_519] {strides = array<i32>} : memref<4x8192xf32, #tpu.memory_space<vmem>>, vector<16xf32>,
      %parallel_loop3A_521 = arith.subf %parallel_loop3A_517, %parallel_loop3A_520 : vector<16xf32>
      %parallel_loop3A_522 = arith.mulf %parallel_loop3A_521, %parallel_loop3A_521 : vector<16xf32>
      %parallel_loop3A_523 = tpu.bitcast %parallel_loop3A_522 : vector<16xf32> -> vector<16xi32>
      %parallel_loop3A_524 = arith.index_cast %parallel_loop3A_508 : i32 to index
      %parallel_loop3A_525 = arith.constant 0 : index
      %parallel_loop3A_526 = tpu.vector_load %arg7[%parallel_loop3A_524, %parallel_loop3A_525] {strides = array<i32>} : memref<2048x16xi32, #tpu.memory_space<vmem>>, vector<16xi32>,
      tpu.vector_store %arg7[%parallel_loop3A_524, %parallel_loop3A_525], %parallel_loop3A_523 {strides = array<i32>} : memref<2048x16xi32, #tpu.memory_space<vmem>>, vector<16xi32>,
      %parallel_loop3A_527 = arith.constant 20 : i32
      %parallel_loop3A_528 = vector.broadcast %parallel_loop3A_527 : i32 to vector<16xi32>
      %parallel_loop3A_529 = arith.shrui %parallel_loop3A_523, %parallel_loop3A_528 : vector<16xi32>
      %parallel_loop3A_530 = arith.constant 4 : i32
      %parallel_loop3A_531 = vector.broadcast %parallel_loop3A_530 : i32 to vector<16xi32>
      %parallel_loop3A_532 = arith.shrui %parallel_loop3A_529, %parallel_loop3A_531 : vector<16xi32>
      %parallel_loop3A_533 = arith.constant 15 : i32
      %parallel_loop3A_534 = vector.broadcast %parallel_loop3A_533 : i32 to vector<16xi32>
      %parallel_loop3A_535 = arith.andi %parallel_loop3A_529, %parallel_loop3A_534 : vector<16xi32>
      tpu.vector_store_idx %arg8[%parallel_loop3A_532, %parallel_loop3A_535], %broadcast_in_dim3A_145 {add = true} : memref<128x16xi32, #tpu.memory_space<vmem>>[vector<16xi32>, vector<16xi32>], vector<16xi32>,
    } {sc.loop_unroll_factor = 4 : i64, sc.parallel_access}
    %dma_wait3A_178 = arith.constant 1 : i32
    %dma_wait3A_179 = arith.constant 0 : i32
    %dma_wait3A_180 = tpu.memref_slice %arg5[%dma_wait3A_178, %dma_wait3A_179] : memref<4x8192xf32, #tpu.memory_space<vmem>> -> memref<1x8192xf32, #tpu.memory_space<vmem>>
    %dma_wait3A_181 = arith.constant 0 : i32
    %dma_wait3A_182 = tpu.memref_slice %arg2[%add3A_24, %dma_wait3A_181] : memref<64x8192xf32, #tpu.memory_space<hbm>> -> memref<1x8192xf32, #tpu.memory_space<hbm>>
    %dma_wait3A_183 = arith.constant 1 : i32
    %dma_wait3A_184 = arith.constant 0 : i32
    %dma_wait3A_185 = tpu.memref_slice %arg5[%dma_wait3A_183, %dma_wait3A_184] : memref<4x8192xf32, #tpu.memory_space<vmem>> -> memref<1x8192xf32, #tpu.memory_space<vmem>>
    %dma_wait3A_186 = arith.constant 0 : i32
    %dma_wait3A_187 = tpu.memref_slice %arg2[%add3A_24, %dma_wait3A_186] : memref<64x8192xf32, #tpu.memory_space<hbm>> -> memref<1x8192xf32, #tpu.memory_space<hbm>>
    tpu.wait_dma2 semaphore(%arg16 : memref<!tpu.dma_semaphore, #tpu.memory_space<semaphore_mem>>) src(%dma_wait3A_187 : memref<1x8192xf32, #tpu.memory_space<hbm>>) dst(%dma_wait3A_185 : memref<1x8192xf32, #tpu.memory_space<vmem>>)
    %dma_wait3A_188 = arith.constant 1 : i32
    %dma_wait3A_189 = arith.constant 0 : i32
    %dma_wait3A_190 = tpu.memref_slice %arg6[%dma_wait3A_188, %dma_wait3A_189] : memref<4x8192xf32, #tpu.memory_space<vmem>> -> memref<1x8192xf32, #tpu.memory_space<vmem>>
    %dma_wait3A_191 = arith.constant 0 : i32
    %dma_wait3A_192 = tpu.memref_slice %arg3[%add3A_36, %dma_wait3A_191] : memref<64x8192xf32, #tpu.memory_space<hbm>> -> memref<1x8192xf32, #tpu.memory_space<hbm>>
    %dma_wait3A_193 = arith.constant 1 : i32
    %dma_wait3A_194 = arith.constant 0 : i32
    %dma_wait3A_195 = tpu.memref_slice %arg6[%dma_wait3A_193, %dma_wait3A_194] : memref<4x8192xf32, #tpu.memory_space<vmem>> -> memref<1x8192xf32, #tpu.memory_space<vmem>>
    %dma_wait3A_196 = arith.constant 0 : i32
    %dma_wait3A_197 = tpu.memref_slice %arg3[%add3A_36, %dma_wait3A_196] : memref<64x8192xf32, #tpu.memory_space<hbm>> -> memref<1x8192xf32, #tpu.memory_space<hbm>>
    tpu.wait_dma2 semaphore(%arg16 : memref<!tpu.dma_semaphore, #tpu.memory_space<semaphore_mem>>) src(%dma_wait3A_197 : memref<1x8192xf32, #tpu.memory_space<hbm>>) dst(%dma_wait3A_195 : memref<1x8192xf32, #tpu.memory_space<vmem>>)
    %parallel_loop3A_198 = arith.constant 512 : i32
    %parallel_loop3A_199 = arith.constant 1024 : i32
    %parallel_loop3A_200 = arith.constant 1 : i32
    scf.for %parallel_loop3A_508 = %parallel_loop3A_198 to %parallel_loop3A_199 step %parallel_loop3A_200  : i32 {
      %parallel_loop3A_509 = arith.constant 9 : i32
      %parallel_loop3A_510 = arith.shrui %parallel_loop3A_508, %parallel_loop3A_509 : i32
      %parallel_loop3A_511 = arith.constant 511 : i32
      %parallel_loop3A_512 = arith.andi %parallel_loop3A_508, %parallel_loop3A_511 : i32
      %parallel_loop3A_513 = arith.constant 4 : i32
      %parallel_loop3A_514 = arith.shli %parallel_loop3A_512, %parallel_loop3A_513 : i32
      %parallel_loop3A_515 = arith.index_cast %parallel_loop3A_510 : i32 to index
      %parallel_loop3A_516 = arith.index_cast %parallel_loop3A_514 : i32 to index
      %parallel_loop3A_517 = tpu.vector_load %arg5[%parallel_loop3A_515, %parallel_loop3A_516] {strides = array<i32>} : memref<4x8192xf32, #tpu.memory_space<vmem>>, vector<16xf32>,
      %parallel_loop3A_518 = arith.index_cast %parallel_loop3A_510 : i32 to index
      %parallel_loop3A_519 = arith.index_cast %parallel_loop3A_514 : i32 to index
      %parallel_loop3A_520 = tpu.vector_load %arg6[%parallel_loop3A_518, %parallel_loop3A_519] {strides = array<i32>} : memref<4x8192xf32, #tpu.memory_space<vmem>>, vector<16xf32>,
      %parallel_loop3A_521 = arith.subf %parallel_loop3A_517, %parallel_loop3A_520 : vector<16xf32>
      %parallel_loop3A_522 = arith.mulf %parallel_loop3A_521, %parallel_loop3A_521 : vector<16xf32>
      %parallel_loop3A_523 = tpu.bitcast %parallel_loop3A_522 : vector<16xf32> -> vector<16xi32>
      %parallel_loop3A_524 = arith.index_cast %parallel_loop3A_508 : i32 to index
      %parallel_loop3A_525 = arith.constant 0 : index
      %parallel_loop3A_526 = tpu.vector_load %arg7[%parallel_loop3A_524, %parallel_loop3A_525] {strides = array<i32>} : memref<2048x16xi32, #tpu.memory_space<vmem>>, vector<16xi32>,
      tpu.vector_store %arg7[%parallel_loop3A_524, %parallel_loop3A_525], %parallel_loop3A_523 {strides = array<i32>} : memref<2048x16xi32, #tpu.memory_space<vmem>>, vector<16xi32>,
      %parallel_loop3A_527 = arith.constant 20 : i32
      %parallel_loop3A_528 = vector.broadcast %parallel_loop3A_527 : i32 to vector<16xi32>
      %parallel_loop3A_529 = arith.shrui %parallel_loop3A_523, %parallel_loop3A_528 : vector<16xi32>
      %parallel_loop3A_530 = arith.constant 4 : i32
      %parallel_loop3A_531 = vector.broadcast %parallel_loop3A_530 : i32 to vector<16xi32>
      %parallel_loop3A_532 = arith.shrui %parallel_loop3A_529, %parallel_loop3A_531 : vector<16xi32>
      %parallel_loop3A_533 = arith.constant 15 : i32
      %parallel_loop3A_534 = vector.broadcast %parallel_loop3A_533 : i32 to vector<16xi32>
      %parallel_loop3A_535 = arith.andi %parallel_loop3A_529, %parallel_loop3A_534 : vector<16xi32>
      tpu.vector_store_idx %arg8[%parallel_loop3A_532, %parallel_loop3A_535], %broadcast_in_dim3A_145 {add = true} : memref<128x16xi32, #tpu.memory_space<vmem>>[vector<16xi32>, vector<16xi32>], vector<16xi32>,
    } {sc.loop_unroll_factor = 4 : i64, sc.parallel_access}
    %dma_wait3A_201 = arith.constant 2 : i32
    %dma_wait3A_202 = arith.constant 0 : i32
    %dma_wait3A_203 = tpu.memref_slice %arg5[%dma_wait3A_201, %dma_wait3A_202] : memref<4x8192xf32, #tpu.memory_space<vmem>> -> memref<1x8192xf32, #tpu.memory_space<vmem>>
    %dma_wait3A_204 = arith.constant 0 : i32
    %dma_wait3A_205 = tpu.memref_slice %arg2[%add3A_48, %dma_wait3A_204] : memref<64x8192xf32, #tpu.memory_space<hbm>> -> memref<1x8192xf32, #tpu.memory_space<hbm>>
    %dma_wait3A_206 = arith.constant 2 : i32
    %dma_wait3A_207 = arith.constant 0 : i32
    %dma_wait3A_208 = tpu.memref_slice %arg5[%dma_wait3A_206, %dma_wait3A_207] : memref<4x8192xf32, #tpu.memory_space<vmem>> -> memref<1x8192xf32, #tpu.memory_space<vmem>>
    %dma_wait3A_209 = arith.constant 0 : i32
    %dma_wait3A_210 = tpu.memref_slice %arg2[%add3A_48, %dma_wait3A_209] : memref<64x8192xf32, #tpu.memory_space<hbm>> -> memref<1x8192xf32, #tpu.memory_space<hbm>>
    tpu.wait_dma2 semaphore(%arg17 : memref<!tpu.dma_semaphore, #tpu.memory_space<semaphore_mem>>) src(%dma_wait3A_210 : memref<1x8192xf32, #tpu.memory_space<hbm>>) dst(%dma_wait3A_208 : memref<1x8192xf32, #tpu.memory_space<vmem>>)
    %dma_wait3A_211 = arith.constant 2 : i32
    %dma_wait3A_212 = arith.constant 0 : i32
    %dma_wait3A_213 = tpu.memref_slice %arg6[%dma_wait3A_211, %dma_wait3A_212] : memref<4x8192xf32, #tpu.memory_space<vmem>> -> memref<1x8192xf32, #tpu.memory_space<vmem>>
    %dma_wait3A_214 = arith.constant 0 : i32
    %dma_wait3A_215 = tpu.memref_slice %arg3[%add3A_60, %dma_wait3A_214] : memref<64x8192xf32, #tpu.memory_space<hbm>> -> memref<1x8192xf32, #tpu.memory_space<hbm>>
    %dma_wait3A_216 = arith.constant 2 : i32
    %dma_wait3A_217 = arith.constant 0 : i32
    %dma_wait3A_218 = tpu.memref_slice %arg6[%dma_wait3A_216, %dma_wait3A_217] : memref<4x8192xf32, #tpu.memory_space<vmem>> -> memref<1x8192xf32, #tpu.memory_space<vmem>>
    %dma_wait3A_219 = arith.constant 0 : i32
    %dma_wait3A_220 = tpu.memref_slice %arg3[%add3A_60, %dma_wait3A_219] : memref<64x8192xf32, #tpu.memory_space<hbm>> -> memref<1x8192xf32, #tpu.memory_space<hbm>>
    tpu.wait_dma2 semaphore(%arg17 : memref<!tpu.dma_semaphore, #tpu.memory_space<semaphore_mem>>) src(%dma_wait3A_220 : memref<1x8192xf32, #tpu.memory_space<hbm>>) dst(%dma_wait3A_218 : memref<1x8192xf32, #tpu.memory_space<vmem>>)
    %parallel_loop3A_221 = arith.constant 1024 : i32
    %parallel_loop3A_222 = arith.constant 1536 : i32
    %parallel_loop3A_223 = arith.constant 1 : i32
    scf.for %parallel_loop3A_508 = %parallel_loop3A_221 to %parallel_loop3A_222 step %parallel_loop3A_223  : i32 {
      %parallel_loop3A_509 = arith.constant 9 : i32
      %parallel_loop3A_510 = arith.shrui %parallel_loop3A_508, %parallel_loop3A_509 : i32
      %parallel_loop3A_511 = arith.constant 511 : i32
      %parallel_loop3A_512 = arith.andi %parallel_loop3A_508, %parallel_loop3A_511 : i32
      %parallel_loop3A_513 = arith.constant 4 : i32
      %parallel_loop3A_514 = arith.shli %parallel_loop3A_512, %parallel_loop3A_513 : i32
      %parallel_loop3A_515 = arith.index_cast %parallel_loop3A_510 : i32 to index
      %parallel_loop3A_516 = arith.index_cast %parallel_loop3A_514 : i32 to index
      %parallel_loop3A_517 = tpu.vector_load %arg5[%parallel_loop3A_515, %parallel_loop3A_516] {strides = array<i32>} : memref<4x8192xf32, #tpu.memory_space<vmem>>, vector<16xf32>,
      %parallel_loop3A_518 = arith.index_cast %parallel_loop3A_510 : i32 to index
      %parallel_loop3A_519 = arith.index_cast %parallel_loop3A_514 : i32 to index
      %parallel_loop3A_520 = tpu.vector_load %arg6[%parallel_loop3A_518, %parallel_loop3A_519] {strides = array<i32>} : memref<4x8192xf32, #tpu.memory_space<vmem>>, vector<16xf32>,
      %parallel_loop3A_521 = arith.subf %parallel_loop3A_517, %parallel_loop3A_520 : vector<16xf32>
      %parallel_loop3A_522 = arith.mulf %parallel_loop3A_521, %parallel_loop3A_521 : vector<16xf32>
      %parallel_loop3A_523 = tpu.bitcast %parallel_loop3A_522 : vector<16xf32> -> vector<16xi32>
      %parallel_loop3A_524 = arith.index_cast %parallel_loop3A_508 : i32 to index
      %parallel_loop3A_525 = arith.constant 0 : index
      %parallel_loop3A_526 = tpu.vector_load %arg7[%parallel_loop3A_524, %parallel_loop3A_525] {strides = array<i32>} : memref<2048x16xi32, #tpu.memory_space<vmem>>, vector<16xi32>,
      tpu.vector_store %arg7[%parallel_loop3A_524, %parallel_loop3A_525], %parallel_loop3A_523 {strides = array<i32>} : memref<2048x16xi32, #tpu.memory_space<vmem>>, vector<16xi32>,
      %parallel_loop3A_527 = arith.constant 20 : i32
      %parallel_loop3A_528 = vector.broadcast %parallel_loop3A_527 : i32 to vector<16xi32>
      %parallel_loop3A_529 = arith.shrui %parallel_loop3A_523, %parallel_loop3A_528 : vector<16xi32>
      %parallel_loop3A_530 = arith.constant 4 : i32
      %parallel_loop3A_531 = vector.broadcast %parallel_loop3A_530 : i32 to vector<16xi32>
      %parallel_loop3A_532 = arith.shrui %parallel_loop3A_529, %parallel_loop3A_531 : vector<16xi32>
      %parallel_loop3A_533 = arith.constant 15 : i32
      %parallel_loop3A_534 = vector.broadcast %parallel_loop3A_533 : i32 to vector<16xi32>
      %parallel_loop3A_535 = arith.andi %parallel_loop3A_529, %parallel_loop3A_534 : vector<16xi32>
      tpu.vector_store_idx %arg8[%parallel_loop3A_532, %parallel_loop3A_535], %broadcast_in_dim3A_145 {add = true} : memref<128x16xi32, #tpu.memory_space<vmem>>[vector<16xi32>, vector<16xi32>], vector<16xi32>,
    } {sc.loop_unroll_factor = 4 : i64, sc.parallel_access}
    %dma_wait3A_224 = arith.constant 3 : i32
    %dma_wait3A_225 = arith.constant 0 : i32
    %dma_wait3A_226 = tpu.memref_slice %arg5[%dma_wait3A_224, %dma_wait3A_225] : memref<4x8192xf32, #tpu.memory_space<vmem>> -> memref<1x8192xf32, #tpu.memory_space<vmem>>
    %dma_wait3A_227 = arith.constant 0 : i32
    %dma_wait3A_228 = tpu.memref_slice %arg2[%add3A_72, %dma_wait3A_227] : memref<64x8192xf32, #tpu.memory_space<hbm>> -> memref<1x8192xf32, #tpu.memory_space<hbm>>
    %dma_wait3A_229 = arith.constant 3 : i32
    %dma_wait3A_230 = arith.constant 0 : i32
    %dma_wait3A_231 = tpu.memref_slice %arg5[%dma_wait3A_229, %dma_wait3A_230] : memref<4x8192xf32, #tpu.memory_space<vmem>> -> memref<1x8192xf32, #tpu.memory_space<vmem>>
    %dma_wait3A_232 = arith.constant 0 : i32
    %dma_wait3A_233 = tpu.memref_slice %arg2[%add3A_72, %dma_wait3A_232] : memref<64x8192xf32, #tpu.memory_space<hbm>> -> memref<1x8192xf32, #tpu.memory_space<hbm>>
    tpu.wait_dma2 semaphore(%arg18 : memref<!tpu.dma_semaphore, #tpu.memory_space<semaphore_mem>>) src(%dma_wait3A_233 : memref<1x8192xf32, #tpu.memory_space<hbm>>) dst(%dma_wait3A_231 : memref<1x8192xf32, #tpu.memory_space<vmem>>)
    %dma_wait3A_234 = arith.constant 3 : i32
    %dma_wait3A_235 = arith.constant 0 : i32
    %dma_wait3A_236 = tpu.memref_slice %arg6[%dma_wait3A_234, %dma_wait3A_235] : memref<4x8192xf32, #tpu.memory_space<vmem>> -> memref<1x8192xf32, #tpu.memory_space<vmem>>
    %dma_wait3A_237 = arith.constant 0 : i32
    %dma_wait3A_238 = tpu.memref_slice %arg3[%add3A_84, %dma_wait3A_237] : memref<64x8192xf32, #tpu.memory_space<hbm>> -> memref<1x8192xf32, #tpu.memory_space<hbm>>
    %dma_wait3A_239 = arith.constant 3 : i32
    %dma_wait3A_240 = arith.constant 0 : i32
    %dma_wait3A_241 = tpu.memref_slice %arg6[%dma_wait3A_239, %dma_wait3A_240] : memref<4x8192xf32, #tpu.memory_space<vmem>> -> memref<1x8192xf32, #tpu.memory_space<vmem>>
    %dma_wait3A_242 = arith.constant 0 : i32
    %dma_wait3A_243 = tpu.memref_slice %arg3[%add3A_84, %dma_wait3A_242] : memref<64x8192xf32, #tpu.memory_space<hbm>> -> memref<1x8192xf32, #tpu.memory_space<hbm>>
    tpu.wait_dma2 semaphore(%arg18 : memref<!tpu.dma_semaphore, #tpu.memory_space<semaphore_mem>>) src(%dma_wait3A_243 : memref<1x8192xf32, #tpu.memory_space<hbm>>) dst(%dma_wait3A_241 : memref<1x8192xf32, #tpu.memory_space<vmem>>)
    %parallel_loop3A_244 = arith.constant 1536 : i32
    %parallel_loop3A_245 = arith.constant 2048 : i32
    %parallel_loop3A_246 = arith.constant 1 : i32
    scf.for %parallel_loop3A_508 = %parallel_loop3A_244 to %parallel_loop3A_245 step %parallel_loop3A_246  : i32 {
      %parallel_loop3A_509 = arith.constant 9 : i32
      %parallel_loop3A_510 = arith.shrui %parallel_loop3A_508, %parallel_loop3A_509 : i32
      %parallel_loop3A_511 = arith.constant 511 : i32
      %parallel_loop3A_512 = arith.andi %parallel_loop3A_508, %parallel_loop3A_511 : i32
      %parallel_loop3A_513 = arith.constant 4 : i32
      %parallel_loop3A_514 = arith.shli %parallel_loop3A_512, %parallel_loop3A_513 : i32
      %parallel_loop3A_515 = arith.index_cast %parallel_loop3A_510 : i32 to index
      %parallel_loop3A_516 = arith.index_cast %parallel_loop3A_514 : i32 to index
      %parallel_loop3A_517 = tpu.vector_load %arg5[%parallel_loop3A_515, %parallel_loop3A_516] {strides = array<i32>} : memref<4x8192xf32, #tpu.memory_space<vmem>>, vector<16xf32>,
      %parallel_loop3A_518 = arith.index_cast %parallel_loop3A_510 : i32 to index
      %parallel_loop3A_519 = arith.index_cast %parallel_loop3A_514 : i32 to index
      %parallel_loop3A_520 = tpu.vector_load %arg6[%parallel_loop3A_518, %parallel_loop3A_519] {strides = array<i32>} : memref<4x8192xf32, #tpu.memory_space<vmem>>, vector<16xf32>,
      %parallel_loop3A_521 = arith.subf %parallel_loop3A_517, %parallel_loop3A_520 : vector<16xf32>
      %parallel_loop3A_522 = arith.mulf %parallel_loop3A_521, %parallel_loop3A_521 : vector<16xf32>
      %parallel_loop3A_523 = tpu.bitcast %parallel_loop3A_522 : vector<16xf32> -> vector<16xi32>
      %parallel_loop3A_524 = arith.index_cast %parallel_loop3A_508 : i32 to index
      %parallel_loop3A_525 = arith.constant 0 : index
      %parallel_loop3A_526 = tpu.vector_load %arg7[%parallel_loop3A_524, %parallel_loop3A_525] {strides = array<i32>} : memref<2048x16xi32, #tpu.memory_space<vmem>>, vector<16xi32>,
      tpu.vector_store %arg7[%parallel_loop3A_524, %parallel_loop3A_525], %parallel_loop3A_523 {strides = array<i32>} : memref<2048x16xi32, #tpu.memory_space<vmem>>, vector<16xi32>,
      %parallel_loop3A_527 = arith.constant 20 : i32
      %parallel_loop3A_528 = vector.broadcast %parallel_loop3A_527 : i32 to vector<16xi32>
      %parallel_loop3A_529 = arith.shrui %parallel_loop3A_523, %parallel_loop3A_528 : vector<16xi32>
      %parallel_loop3A_530 = arith.constant 4 : i32
      %parallel_loop3A_531 = vector.broadcast %parallel_loop3A_530 : i32 to vector<16xi32>
      %parallel_loop3A_532 = arith.shrui %parallel_loop3A_529, %parallel_loop3A_531 : vector<16xi32>
      %parallel_loop3A_533 = arith.constant 15 : i32
      %parallel_loop3A_534 = vector.broadcast %parallel_loop3A_533 : i32 to vector<16xi32>
      %parallel_loop3A_535 = arith.andi %parallel_loop3A_529, %parallel_loop3A_534 : vector<16xi32>
      tpu.vector_store_idx %arg8[%parallel_loop3A_532, %parallel_loop3A_535], %broadcast_in_dim3A_145 {add = true} : memref<128x16xi32, #tpu.memory_space<vmem>>[vector<16xi32>, vector<16xi32>], vector<16xi32>,
    } {sc.loop_unroll_factor = 4 : i64, sc.parallel_access}
    "tpu.trace_stop"() : () -> ()
    "tpu.trace_start"() <{level = 10 : i32, message = "combine0"}> : () -> ()
    "tpu.region"() ({
      %run_scoped3A = tpu.sem_alloc : memref<!tpu.dma_semaphore, #tpu.memory_space<semaphore_mem>>
      %dma_start3A_508 = arith.constant 0 : i32
      %dma_start3A_509 = arith.constant 0 : i32
      %dma_start3A_510 = tpu.memref_slice %arg13[%dma_start3A_508, %dma_start3A_509] : memref<128x16xi32, #tpu.memory_space<vmem_shared>> -> memref<128x16xi32, #tpu.memory_space<vmem_shared>>
      tpu.enqueue_indirect_dma source(%arg8 : memref<128x16xi32, #tpu.memory_space<vmem>>) target(%dma_start3A_510 : memref<128x16xi32, #tpu.memory_space<vmem_shared>>) offsets(%arg9 : memref<128xi32, #tpu.memory_space<vmem>>) semaphore(%run_scoped3A : memref<!tpu.dma_semaphore, #tpu.memory_space<semaphore_mem>>) {add = true}
      %dma_wait3A_511 = arith.constant 0 : i32
      %dma_wait3A_512 = arith.constant 0 : i32
      %dma_wait3A_513 = tpu.memref_slice %arg13[%dma_wait3A_511, %dma_wait3A_512] : memref<128x16xi32, #tpu.memory_space<vmem_shared>> -> memref<128x16xi32, #tpu.memory_space<vmem_shared>>
      tpu.wait_indirect_dma semaphore(%run_scoped3A : memref<!tpu.dma_semaphore, #tpu.memory_space<semaphore_mem>>) src(%arg8 : memref<128x16xi32, #tpu.memory_space<vmem>>) dst(%dma_wait3A_513 : memref<128x16xi32, #tpu.memory_space<vmem_shared>>)
      tpu.yield
    }) : () -> ()
    %barrier3A_247 = arith.constant 0 : index
    tpu.barrier barrier_id(%barrier3A_247)
    "tpu.region"() ({
      %run_scoped3A = tpu.sem_alloc : memref<!tpu.dma_semaphore, #tpu.memory_space<semaphore_mem>>
      tpu.enqueue_dma source(%arg13 : memref<128x16xi32, #tpu.memory_space<vmem_shared>>) target(%arg8 : memref<128x16xi32, #tpu.memory_space<vmem>>) target_semaphore(%run_scoped3A : memref<!tpu.dma_semaphore, #tpu.memory_space<semaphore_mem>>)
      tpu.wait_dma2 semaphore(%run_scoped3A : memref<!tpu.dma_semaphore, #tpu.memory_space<semaphore_mem>>) src(%arg13 : memref<128x16xi32, #tpu.memory_space<vmem_shared>>) dst(%arg8 : memref<128x16xi32, #tpu.memory_space<vmem>>)
      tpu.yield
    }) : () -> ()
    %barrier3A_248 = arith.constant 0 : index
    tpu.barrier barrier_id(%barrier3A_248)
    %swap3A_249 = arith.constant 0 : i32
    "tpu.trace_stop"() : () -> ()
    "tpu.trace_start"() <{level = 10 : i32, message = "pivot0"}> : () -> ()
    %swap3A_250 = arith.index_cast %swap3A_249 : i32 to index
    %swap3A_251 = arith.constant 0 : index
    %swap3A_252 = tpu.vector_load %arg12[%swap3A_250, %swap3A_251] {strides = array<i32>} : memref<8x16xi32, #tpu.memory_space<vmem>>, vector<16xi32>,
    tpu.vector_store %arg12[%swap3A_250, %swap3A_251], %broadcast_in_dim3A_141 {strides = array<i32>} : memref<8x16xi32, #tpu.memory_space<vmem>>, vector<16xi32>,
    %swap3A_253 = arith.constant 1 : i32
    %swap3A_254 = arith.index_cast %swap3A_253 : i32 to index
    %swap3A_255 = arith.constant 0 : index
    %swap3A_256 = tpu.vector_load %arg12[%swap3A_254, %swap3A_255] {strides = array<i32>} : memref<8x16xi32, #tpu.memory_space<vmem>>, vector<16xi32>,
    tpu.vector_store %arg12[%swap3A_254, %swap3A_255], %broadcast_in_dim3A_141 {strides = array<i32>} : memref<8x16xi32, #tpu.memory_space<vmem>>, vector<16xi32>,
    %swap3A_257 = arith.constant 2 : i32
    %swap3A_258 = arith.index_cast %swap3A_257 : i32 to index
    %swap3A_259 = arith.constant 0 : index
    %swap3A_260 = tpu.vector_load %arg12[%swap3A_258, %swap3A_259] {strides = array<i32>} : memref<8x16xi32, #tpu.memory_space<vmem>>, vector<16xi32>,
    tpu.vector_store %arg12[%swap3A_258, %swap3A_259], %broadcast_in_dim3A_141 {strides = array<i32>} : memref<8x16xi32, #tpu.memory_space<vmem>>, vector<16xi32>,
    %swap3A_261 = arith.constant 3 : i32
    %swap3A_262 = arith.index_cast %swap3A_261 : i32 to index
    %swap3A_263 = arith.constant 0 : index
    %swap3A_264 = tpu.vector_load %arg12[%swap3A_262, %swap3A_263] {strides = array<i32>} : memref<8x16xi32, #tpu.memory_space<vmem>>, vector<16xi32>,
    tpu.vector_store %arg12[%swap3A_262, %swap3A_263], %broadcast_in_dim3A_141 {strides = array<i32>} : memref<8x16xi32, #tpu.memory_space<vmem>>, vector<16xi32>,
    %swap3A_265 = arith.constant 4 : i32
    %swap3A_266 = arith.index_cast %swap3A_265 : i32 to index
    %swap3A_267 = arith.constant 0 : index
    %swap3A_268 = tpu.vector_load %arg12[%swap3A_266, %swap3A_267] {strides = array<i32>} : memref<8x16xi32, #tpu.memory_space<vmem>>, vector<16xi32>,
    tpu.vector_store %arg12[%swap3A_266, %swap3A_267], %broadcast_in_dim3A_141 {strides = array<i32>} : memref<8x16xi32, #tpu.memory_space<vmem>>, vector<16xi32>,
    %swap3A_269 = arith.constant 5 : i32
    %swap3A_270 = arith.index_cast %swap3A_269 : i32 to index
    %swap3A_271 = arith.constant 0 : index
    %swap3A_272 = tpu.vector_load %arg12[%swap3A_270, %swap3A_271] {strides = array<i32>} : memref<8x16xi32, #tpu.memory_space<vmem>>, vector<16xi32>,
    tpu.vector_store %arg12[%swap3A_270, %swap3A_271], %broadcast_in_dim3A_141 {strides = array<i32>} : memref<8x16xi32, #tpu.memory_space<vmem>>, vector<16xi32>,
    %swap3A_273 = arith.constant 6 : i32
    %swap3A_274 = arith.index_cast %swap3A_273 : i32 to index
    %swap3A_275 = arith.constant 0 : index
    %swap3A_276 = tpu.vector_load %arg12[%swap3A_274, %swap3A_275] {strides = array<i32>} : memref<8x16xi32, #tpu.memory_space<vmem>>, vector<16xi32>,
    tpu.vector_store %arg12[%swap3A_274, %swap3A_275], %broadcast_in_dim3A_141 {strides = array<i32>} : memref<8x16xi32, #tpu.memory_space<vmem>>, vector<16xi32>,
    %swap3A_277 = arith.constant 7 : i32
    %swap3A_278 = arith.index_cast %swap3A_277 : i32 to index
    %swap3A_279 = arith.constant 0 : index
    %swap3A_280 = tpu.vector_load %arg12[%swap3A_278, %swap3A_279] {strides = array<i32>} : memref<8x16xi32, #tpu.memory_space<vmem>>, vector<16xi32>,
    tpu.vector_store %arg12[%swap3A_278, %swap3A_279], %broadcast_in_dim3A_141 {strides = array<i32>} : memref<8x16xi32, #tpu.memory_space<vmem>>, vector<16xi32>,
    %parallel_loop3A_281 = arith.constant 0 : i32
    %parallel_loop3A_282 = arith.constant 128 : i32
    %parallel_loop3A_283 = arith.constant 1 : i32
    scf.for %parallel_loop3A_508 = %parallel_loop3A_281 to %parallel_loop3A_282 step %parallel_loop3A_283  : i32 {
      %parallel_loop3A_509 = arith.index_cast %parallel_loop3A_508 : i32 to index
      %parallel_loop3A_510 = arith.constant 0 : index
      %parallel_loop3A_511 = tpu.vector_load %arg8[%parallel_loop3A_509, %parallel_loop3A_510] {strides = array<i32>} : memref<128x16xi32, #tpu.memory_space<vmem>>, vector<16xi32>,
      %parallel_loop3A_512 = arith.constant true
      %parallel_loop3A_513 = vector.broadcast %parallel_loop3A_512 : i1 to vector<16xi1>
      %parallel_loop3A_514 = tpu.scan <sum>, %parallel_loop3A_511 masked %parallel_loop3A_513 : vector<16xi32>, vector<16xi1> -> vector<16xi32>
      %parallel_loop3A_515 = arith.constant 4 : i32
      %parallel_loop3A_516 = arith.shrui %parallel_loop3A_508, %parallel_loop3A_515 : i32
      %parallel_loop3A_517 = vector.broadcast %parallel_loop3A_516 : i32 to vector<16xi32>
      %parallel_loop3A_518 = arith.addi %broadcast_in_dim3A_141, %parallel_loop3A_517 : vector<16xi32>
      %parallel_loop3A_519 = arith.constant 15 : i32
      %parallel_loop3A_520 = arith.andi %parallel_loop3A_508, %parallel_loop3A_519 : i32
      %parallel_loop3A_521 = vector.broadcast %parallel_loop3A_520 : i32 to vector<16xi32>
      %parallel_loop3A_522 = arith.addi %broadcast_in_dim3A_141, %parallel_loop3A_521 : vector<16xi32>
      tpu.vector_store_idx %arg12[%parallel_loop3A_518, %parallel_loop3A_522], %parallel_loop3A_514 masked %eq3A_148 {add = true} : memref<8x16xi32, #tpu.memory_space<vmem>>[vector<16xi32>, vector<16xi32>], vector<16xi32>, vector<16xi1>
    } {sc.loop_unroll_factor = 4 : i64, sc.parallel_access}
    %scan3A = arith.constant 0 : i32
    %scan3A_284 = arith.constant 0 : i32
    %scan3A_285 = arith.constant false
    %scan3A_286 = arith.constant 0 : i32
    %scan3A_287 = arith.constant 8 : i32
    %scan3A_288 = arith.addi %scan3A_286, %scan3A_287 : i32
    %scan3A_289 = arith.constant 1 : i32
    %scan3A_290:3 = scf.for %scan3A_508 = %scan3A_286 to %scan3A_288 step %scan3A_289 iter_args(%scan3A_509 = %scan3A, %scan3A_510 = %scan3A_284, %scan3A_511 = %scan3A_285) -> (i32, i32, i1)  : i32 {
      %get3A_512 = arith.index_cast %scan3A_508 : i32 to index
      %get3A_513 = arith.constant 0 : index
      %get3A_514 = tpu.vector_load %arg12[%get3A_512, %get3A_513] {strides = array<i32>} : memref<8x16xi32, #tpu.memory_space<vmem>>, vector<16xi32>,
      %broadcast_in_dim3A_515 = arith.constant true
      %broadcast_in_dim3A_516 = vector.broadcast %broadcast_in_dim3A_515 : i1 to vector<16xi1>
      %masked_cumsum3A_517 = tpu.scan <sum>, %get3A_514 masked %broadcast_in_dim3A_516 : vector<16xi32>, vector<16xi1> -> vector<16xi32>
      %add3A_518 = vector.broadcast %scan3A_509 : i32 to vector<16xi32>
      %add3A_519 = arith.addi %add3A_518, %masked_cumsum3A_517 : vector<16xi32>
      %lt3A_520 = arith.constant 131072 : i32
      %lt3A_521 = vector.broadcast %lt3A_520 : i32 to vector<16xi32>
      %lt3A_522 = arith.cmpi slt, %add3A_519, %lt3A_521 : vector<16xi32>
      %not3A = arith.constant true
      %not3A_523 = arith.xori %scan3A_511, %not3A : i1
      %and3A = vector.broadcast %not3A_523 : i1 to vector<16xi1>
      %and3A_524 = arith.andi %lt3A_522, %and3A : vector<16xi1>
      %jit3A_525 = arith.constant 0 : i32
      %broadcast_in_dim3A_526 = vector.broadcast %jit3A_525 : i32 to vector<16xi32>
      %select_n3A_527 = arith.select %and3A_524, %get3A_514, %broadcast_in_dim3A_526 : vector<16xi1>, vector<16xi32>
      %reduce_sum3A_528 = arith.constant true
      %reduce_sum3A_529 = vector.broadcast %reduce_sum3A_528 : i1 to vector<16xi1>
      %reduce_sum3A_530 = tpu.scan <sum>, %select_n3A_527 masked %reduce_sum3A_529 : vector<16xi32>, vector<16xi1> -> vector<16xi32>
      %reduce_sum3A_531 = vector.extract %reduce_sum3A_530[15] : i32 from vector<16xi32>
      %convert_element_type3A_532 = arith.extui %lt3A_522 : vector<16xi1> to vector<16xi32>
      %reduce_sum3A_533 = arith.constant true
      %reduce_sum3A_534 = vector.broadcast %reduce_sum3A_533 : i1 to vector<16xi1>
      %reduce_sum3A_535 = tpu.scan <sum>, %convert_element_type3A_532 masked %reduce_sum3A_534 : vector<16xi32>, vector<16xi1> -> vector<16xi32>
      %reduce_sum3A_536 = vector.extract %reduce_sum3A_535[15] : i32 from vector<16xi32>
      %lt3A_537 = arith.constant 16 : i32
      %lt3A_538 = arith.cmpi slt, %reduce_sum3A_536, %lt3A_537 : i32
      %and3A_539 = arith.andi %not3A_523, %lt3A_538 : i1
      %mul3A_540 = arith.constant 16 : i32
      %mul3A_541 = arith.muli %scan3A_508, %mul3A_540 : i32
      %add3A_542 = arith.addi %mul3A_541, %reduce_sum3A_536 : i32
      %select_n3A_543 = arith.select %and3A_539, %add3A_542, %scan3A_510 : i32
      %add3A_544 = arith.addi %scan3A_509, %reduce_sum3A_531 : i32
      %or3A_545 = arith.ori %scan3A_511, %and3A_539 : i1
      scf.yield %add3A_544, %select_n3A_543, %or3A_545 : i32, i32, i1
    }
    %scan3A_291 = arith.constant 8 : i32
    %get3A = arith.index_cast %scan3A_290#1 : i32 to index
    %get3A_292 = arith.constant 0 : index
    %get3A_293 = tpu.vector_load %arg8[%get3A, %get3A_292] {strides = array<i32>} : memref<128x16xi32, #tpu.memory_space<vmem>>, vector<16xi32>,
    %broadcast_in_dim3A_294 = arith.constant true
    %broadcast_in_dim3A_295 = vector.broadcast %broadcast_in_dim3A_294 : i1 to vector<16xi1>
    %masked_cumsum3A = tpu.scan <sum>, %get3A_293 masked %broadcast_in_dim3A_295 : vector<16xi32>, vector<16xi1> -> vector<16xi32>
    %add3A_296 = vector.broadcast %scan3A_290#0 : i32 to vector<16xi32>
    %add3A_297 = arith.addi %add3A_296, %masked_cumsum3A : vector<16xi32>
    %lt3A = arith.constant 131072 : i32
    %lt3A_298 = vector.broadcast %lt3A : i32 to vector<16xi32>
    %lt3A_299 = arith.cmpi slt, %add3A_297, %lt3A_298 : vector<16xi32>
    %jit3A = arith.constant 0 : i32
    %broadcast_in_dim3A_300 = vector.broadcast %jit3A : i32 to vector<16xi32>
    %select_n3A = arith.select %lt3A_299, %get3A_293, %broadcast_in_dim3A_300 : vector<16xi1>, vector<16xi32>
    %reduce_sum3A = arith.constant true
    %reduce_sum3A_301 = vector.broadcast %reduce_sum3A : i1 to vector<16xi1>
    %reduce_sum3A_302 = tpu.scan <sum>, %select_n3A masked %reduce_sum3A_301 : vector<16xi32>, vector<16xi1> -> vector<16xi32>
    %reduce_sum3A_303 = vector.extract %reduce_sum3A_302[15] : i32 from vector<16xi32>
    %add3A_304 = arith.addi %scan3A_290#0, %reduce_sum3A_303 : i32
    %convert_element_type3A_305 = arith.extui %lt3A_299 : vector<16xi1> to vector<16xi32>
    %reduce_sum3A_306 = arith.constant true
    %reduce_sum3A_307 = vector.broadcast %reduce_sum3A_306 : i1 to vector<16xi1>
    %reduce_sum3A_308 = tpu.scan <sum>, %convert_element_type3A_305 masked %reduce_sum3A_307 : vector<16xi32>, vector<16xi1> -> vector<16xi32>
    %reduce_sum3A_309 = vector.extract %reduce_sum3A_308[15] : i32 from vector<16xi32>
    %mul3A_310 = arith.constant 16 : i32
    %mul3A_311 = arith.muli %scan3A_290#1, %mul3A_310 : i32
    %add3A_312 = arith.addi %mul3A_311, %reduce_sum3A_309 : i32
    "tpu.trace_stop"() : () -> ()
    %shift_left3A = arith.constant 20 : i32
    %shift_left3A_313 = arith.shli %add3A_312, %shift_left3A : i32
    %or3A = arith.constant 0 : i32
    %or3A_314 = arith.ori %or3A, %shift_left3A_313 : i32
    %parallel_loop3A_315 = arith.constant 0 : i32
    %parallel_loop3A_316 = arith.constant 128 : i32
    %parallel_loop3A_317 = arith.constant 1 : i32
    scf.for %parallel_loop3A_508 = %parallel_loop3A_315 to %parallel_loop3A_316 step %parallel_loop3A_317  : i32 {
      %parallel_loop3A_509 = arith.index_cast %parallel_loop3A_508 : i32 to index
      %parallel_loop3A_510 = arith.constant 0 : index
      %parallel_loop3A_511 = tpu.vector_load %arg8[%parallel_loop3A_509, %parallel_loop3A_510] {strides = array<i32>} : memref<128x16xi32, #tpu.memory_space<vmem>>, vector<16xi32>,
      tpu.vector_store %arg8[%parallel_loop3A_509, %parallel_loop3A_510], %broadcast_in_dim3A_141 {strides = array<i32>} : memref<128x16xi32, #tpu.memory_space<vmem>>, vector<16xi32>,
    } {sc.loop_unroll_factor = 4 : i64, sc.parallel_access}
    %eq3A_318 = arith.constant 0 : i32
    %eq3A_319 = arith.cmpi eq, %arg1, %eq3A_318 : i32
    %convert_element_type3A_320 = arith.extui %eq3A_319 : i1 to i32
    %cond3A_321 = arith.constant 0 : i32
    %cond3A_322 = arith.cmpi ne, %convert_element_type3A_320, %cond3A_321 : i32
    scf.if %cond3A_322 {
      "tpu.region"() ({
        %run_scoped3A = tpu.sem_alloc : memref<!tpu.dma_semaphore, #tpu.memory_space<semaphore_mem>>
        tpu.enqueue_dma source(%arg8 : memref<128x16xi32, #tpu.memory_space<vmem>>) target(%arg13 : memref<128x16xi32, #tpu.memory_space<vmem_shared>>) target_semaphore(%run_scoped3A : memref<!tpu.dma_semaphore, #tpu.memory_space<semaphore_mem>>)
        tpu.wait_dma2 semaphore(%run_scoped3A : memref<!tpu.dma_semaphore, #tpu.memory_space<semaphore_mem>>) src(%arg8 : memref<128x16xi32, #tpu.memory_space<vmem>>) dst(%arg13 : memref<128x16xi32, #tpu.memory_space<vmem_shared>>)
        tpu.yield
      }) : () -> ()
    } else {
    }
    %barrier3A_323 = arith.constant 0 : index
    tpu.barrier barrier_id(%barrier3A_323)
    %shift_right_logical3A_324 = arith.constant 20 : i32
    %shift_right_logical3A_325 = arith.shrui %or3A_314, %shift_right_logical3A_324 : i32
    %parallel_loop3A_326 = arith.constant 0 : i32
    %parallel_loop3A_327 = arith.constant 2048 : i32
    %parallel_loop3A_328 = arith.constant 1 : i32
    "tpu.trace_start"() <{level = 10 : i32, message = "scan1"}> : () -> ()
    scf.for %parallel_loop3A_508 = %parallel_loop3A_326 to %parallel_loop3A_327 step %parallel_loop3A_328  : i32 {
      %parallel_loop3A_509 = arith.index_cast %parallel_loop3A_508 : i32 to index
      %parallel_loop3A_510 = arith.constant 0 : index
      %parallel_loop3A_511 = tpu.vector_load %arg7[%parallel_loop3A_509, %parallel_loop3A_510] {strides = array<i32>} : memref<2048x16xi32, #tpu.memory_space<vmem>>, vector<16xi32>,
      %parallel_loop3A_512 = arith.constant 20 : i32
      %parallel_loop3A_513 = vector.broadcast %parallel_loop3A_512 : i32 to vector<16xi32>
      %parallel_loop3A_514 = arith.shrui %parallel_loop3A_511, %parallel_loop3A_513 : vector<16xi32>
      %parallel_loop3A_515 = vector.broadcast %shift_right_logical3A_325 : i32 to vector<16xi32>
      %parallel_loop3A_516 = arith.cmpi eq, %parallel_loop3A_514, %parallel_loop3A_515 : vector<16xi32>
      %parallel_loop3A_517 = arith.constant 10 : i32
      %parallel_loop3A_518 = vector.broadcast %parallel_loop3A_517 : i32 to vector<16xi32>
      %parallel_loop3A_519 = arith.shrui %parallel_loop3A_511, %parallel_loop3A_518 : vector<16xi32>
      %parallel_loop3A_520 = arith.constant 1023 : i32
      %parallel_loop3A_521 = vector.broadcast %parallel_loop3A_520 : i32 to vector<16xi32>
      %parallel_loop3A_522 = arith.andi %parallel_loop3A_519, %parallel_loop3A_521 : vector<16xi32>
      %parallel_loop3A_523 = arith.constant 4 : i32
      %parallel_loop3A_524 = vector.broadcast %parallel_loop3A_523 : i32 to vector<16xi32>
      %parallel_loop3A_525 = arith.shrui %parallel_loop3A_522, %parallel_loop3A_524 : vector<16xi32>
      %parallel_loop3A_526 = arith.constant 15 : i32
      %parallel_loop3A_527 = vector.broadcast %parallel_loop3A_526 : i32 to vector<16xi32>
      %parallel_loop3A_528 = arith.andi %parallel_loop3A_522, %parallel_loop3A_527 : vector<16xi32>
      tpu.vector_store_idx %arg8[%parallel_loop3A_525, %parallel_loop3A_528], %broadcast_in_dim3A_145 masked %parallel_loop3A_516 {add = true} : memref<128x16xi32, #tpu.memory_space<vmem>>[vector<16xi32>, vector<16xi32>], vector<16xi32>, vector<16xi1>
    } {sc.loop_unroll_factor = 8 : i64, sc.parallel_access}
    "tpu.trace_stop"() : () -> ()
    "tpu.trace_start"() <{level = 10 : i32, message = "combine1"}> : () -> ()
    "tpu.region"() ({
      %run_scoped3A = tpu.sem_alloc : memref<!tpu.dma_semaphore, #tpu.memory_space<semaphore_mem>>
      %dma_start3A_508 = arith.constant 0 : i32
      %dma_start3A_509 = arith.constant 0 : i32
      %dma_start3A_510 = tpu.memref_slice %arg13[%dma_start3A_508, %dma_start3A_509] : memref<128x16xi32, #tpu.memory_space<vmem_shared>> -> memref<128x16xi32, #tpu.memory_space<vmem_shared>>
      tpu.enqueue_indirect_dma source(%arg8 : memref<128x16xi32, #tpu.memory_space<vmem>>) target(%dma_start3A_510 : memref<128x16xi32, #tpu.memory_space<vmem_shared>>) offsets(%arg9 : memref<128xi32, #tpu.memory_space<vmem>>) semaphore(%run_scoped3A : memref<!tpu.dma_semaphore, #tpu.memory_space<semaphore_mem>>) {add = true}
      %dma_wait3A_511 = arith.constant 0 : i32
      %dma_wait3A_512 = arith.constant 0 : i32
      %dma_wait3A_513 = tpu.memref_slice %arg13[%dma_wait3A_511, %dma_wait3A_512] : memref<128x16xi32, #tpu.memory_space<vmem_shared>> -> memref<128x16xi32, #tpu.memory_space<vmem_shared>>
      tpu.wait_indirect_dma semaphore(%run_scoped3A : memref<!tpu.dma_semaphore, #tpu.memory_space<semaphore_mem>>) src(%arg8 : memref<128x16xi32, #tpu.memory_space<vmem>>) dst(%dma_wait3A_513 : memref<128x16xi32, #tpu.memory_space<vmem_shared>>)
      tpu.yield
    }) : () -> ()
    %barrier3A_329 = arith.constant 0 : index
    tpu.barrier barrier_id(%barrier3A_329)
    "tpu.region"() ({
      %run_scoped3A = tpu.sem_alloc : memref<!tpu.dma_semaphore, #tpu.memory_space<semaphore_mem>>
      tpu.enqueue_dma source(%arg13 : memref<128x16xi32, #tpu.memory_space<vmem_shared>>) target(%arg8 : memref<128x16xi32, #tpu.memory_space<vmem>>) target_semaphore(%run_scoped3A : memref<!tpu.dma_semaphore, #tpu.memory_space<semaphore_mem>>)
      tpu.wait_dma2 semaphore(%run_scoped3A : memref<!tpu.dma_semaphore, #tpu.memory_space<semaphore_mem>>) src(%arg13 : memref<128x16xi32, #tpu.memory_space<vmem_shared>>) dst(%arg8 : memref<128x16xi32, #tpu.memory_space<vmem>>)
      tpu.yield
    }) : () -> ()
    %barrier3A_330 = arith.constant 0 : index
    tpu.barrier barrier_id(%barrier3A_330)
    %swap3A_331 = arith.constant 0 : i32
    "tpu.trace_stop"() : () -> ()
    "tpu.trace_start"() <{level = 10 : i32, message = "pivot1"}> : () -> ()
    %swap3A_332 = arith.index_cast %swap3A_331 : i32 to index
    %swap3A_333 = arith.constant 0 : index
    %swap3A_334 = tpu.vector_load %arg12[%swap3A_332, %swap3A_333] {strides = array<i32>} : memref<8x16xi32, #tpu.memory_space<vmem>>, vector<16xi32>,
    tpu.vector_store %arg12[%swap3A_332, %swap3A_333], %broadcast_in_dim3A_141 {strides = array<i32>} : memref<8x16xi32, #tpu.memory_space<vmem>>, vector<16xi32>,
    %swap3A_335 = arith.constant 1 : i32
    %swap3A_336 = arith.index_cast %swap3A_335 : i32 to index
    %swap3A_337 = arith.constant 0 : index
    %swap3A_338 = tpu.vector_load %arg12[%swap3A_336, %swap3A_337] {strides = array<i32>} : memref<8x16xi32, #tpu.memory_space<vmem>>, vector<16xi32>,
    tpu.vector_store %arg12[%swap3A_336, %swap3A_337], %broadcast_in_dim3A_141 {strides = array<i32>} : memref<8x16xi32, #tpu.memory_space<vmem>>, vector<16xi32>,
    %swap3A_339 = arith.constant 2 : i32
    %swap3A_340 = arith.index_cast %swap3A_339 : i32 to index
    %swap3A_341 = arith.constant 0 : index
    %swap3A_342 = tpu.vector_load %arg12[%swap3A_340, %swap3A_341] {strides = array<i32>} : memref<8x16xi32, #tpu.memory_space<vmem>>, vector<16xi32>,
    tpu.vector_store %arg12[%swap3A_340, %swap3A_341], %broadcast_in_dim3A_141 {strides = array<i32>} : memref<8x16xi32, #tpu.memory_space<vmem>>, vector<16xi32>,
    %swap3A_343 = arith.constant 3 : i32
    %swap3A_344 = arith.index_cast %swap3A_343 : i32 to index
    %swap3A_345 = arith.constant 0 : index
    %swap3A_346 = tpu.vector_load %arg12[%swap3A_344, %swap3A_345] {strides = array<i32>} : memref<8x16xi32, #tpu.memory_space<vmem>>, vector<16xi32>,
    tpu.vector_store %arg12[%swap3A_344, %swap3A_345], %broadcast_in_dim3A_141 {strides = array<i32>} : memref<8x16xi32, #tpu.memory_space<vmem>>, vector<16xi32>,
    %swap3A_347 = arith.constant 4 : i32
    %swap3A_348 = arith.index_cast %swap3A_347 : i32 to index
    %swap3A_349 = arith.constant 0 : index
    %swap3A_350 = tpu.vector_load %arg12[%swap3A_348, %swap3A_349] {strides = array<i32>} : memref<8x16xi32, #tpu.memory_space<vmem>>, vector<16xi32>,
    tpu.vector_store %arg12[%swap3A_348, %swap3A_349], %broadcast_in_dim3A_141 {strides = array<i32>} : memref<8x16xi32, #tpu.memory_space<vmem>>, vector<16xi32>,
    %swap3A_351 = arith.constant 5 : i32
    %swap3A_352 = arith.index_cast %swap3A_351 : i32 to index
    %swap3A_353 = arith.constant 0 : index
    %swap3A_354 = tpu.vector_load %arg12[%swap3A_352, %swap3A_353] {strides = array<i32>} : memref<8x16xi32, #tpu.memory_space<vmem>>, vector<16xi32>,
    tpu.vector_store %arg12[%swap3A_352, %swap3A_353], %broadcast_in_dim3A_141 {strides = array<i32>} : memref<8x16xi32, #tpu.memory_space<vmem>>, vector<16xi32>,
    %swap3A_355 = arith.constant 6 : i32
    %swap3A_356 = arith.index_cast %swap3A_355 : i32 to index
    %swap3A_357 = arith.constant 0 : index
    %swap3A_358 = tpu.vector_load %arg12[%swap3A_356, %swap3A_357] {strides = array<i32>} : memref<8x16xi32, #tpu.memory_space<vmem>>, vector<16xi32>,
    tpu.vector_store %arg12[%swap3A_356, %swap3A_357], %broadcast_in_dim3A_141 {strides = array<i32>} : memref<8x16xi32, #tpu.memory_space<vmem>>, vector<16xi32>,
    %swap3A_359 = arith.constant 7 : i32
    %swap3A_360 = arith.index_cast %swap3A_359 : i32 to index
    %swap3A_361 = arith.constant 0 : index
    %swap3A_362 = tpu.vector_load %arg12[%swap3A_360, %swap3A_361] {strides = array<i32>} : memref<8x16xi32, #tpu.memory_space<vmem>>, vector<16xi32>,
    tpu.vector_store %arg12[%swap3A_360, %swap3A_361], %broadcast_in_dim3A_141 {strides = array<i32>} : memref<8x16xi32, #tpu.memory_space<vmem>>, vector<16xi32>,
    %parallel_loop3A_363 = arith.constant 0 : i32
    %parallel_loop3A_364 = arith.constant 64 : i32
    %parallel_loop3A_365 = arith.constant 1 : i32
    scf.for %parallel_loop3A_508 = %parallel_loop3A_363 to %parallel_loop3A_364 step %parallel_loop3A_365  : i32 {
      %parallel_loop3A_509 = arith.index_cast %parallel_loop3A_508 : i32 to index
      %parallel_loop3A_510 = arith.constant 0 : index
      %parallel_loop3A_511 = tpu.vector_load %arg8[%parallel_loop3A_509, %parallel_loop3A_510] {strides = array<i32>} : memref<128x16xi32, #tpu.memory_space<vmem>>, vector<16xi32>,
      %parallel_loop3A_512 = arith.constant true
      %parallel_loop3A_513 = vector.broadcast %parallel_loop3A_512 : i1 to vector<16xi1>
      %parallel_loop3A_514 = tpu.scan <sum>, %parallel_loop3A_511 masked %parallel_loop3A_513 : vector<16xi32>, vector<16xi1> -> vector<16xi32>
      %parallel_loop3A_515 = arith.constant 4 : i32
      %parallel_loop3A_516 = arith.shrui %parallel_loop3A_508, %parallel_loop3A_515 : i32
      %parallel_loop3A_517 = vector.broadcast %parallel_loop3A_516 : i32 to vector<16xi32>
      %parallel_loop3A_518 = arith.addi %broadcast_in_dim3A_141, %parallel_loop3A_517 : vector<16xi32>
      %parallel_loop3A_519 = arith.constant 15 : i32
      %parallel_loop3A_520 = arith.andi %parallel_loop3A_508, %parallel_loop3A_519 : i32
      %parallel_loop3A_521 = vector.broadcast %parallel_loop3A_520 : i32 to vector<16xi32>
      %parallel_loop3A_522 = arith.addi %broadcast_in_dim3A_141, %parallel_loop3A_521 : vector<16xi32>
      tpu.vector_store_idx %arg12[%parallel_loop3A_518, %parallel_loop3A_522], %parallel_loop3A_514 masked %eq3A_148 {add = true} : memref<8x16xi32, #tpu.memory_space<vmem>>[vector<16xi32>, vector<16xi32>], vector<16xi32>, vector<16xi1>
    } {sc.loop_unroll_factor = 4 : i64, sc.parallel_access}
    %scan3A_366 = arith.constant 0 : i32
    %scan3A_367 = arith.constant false
    %scan3A_368 = arith.constant 0 : i32
    %scan3A_369 = arith.constant 4 : i32
    %scan3A_370 = arith.addi %scan3A_368, %scan3A_369 : i32
    %scan3A_371 = arith.constant 1 : i32
    %scan3A_372:3 = scf.for %scan3A_508 = %scan3A_368 to %scan3A_370 step %scan3A_371 iter_args(%scan3A_509 = %add3A_304, %scan3A_510 = %scan3A_366, %scan3A_511 = %scan3A_367) -> (i32, i32, i1)  : i32 {
      %get3A_512 = arith.index_cast %scan3A_508 : i32 to index
      %get3A_513 = arith.constant 0 : index
      %get3A_514 = tpu.vector_load %arg12[%get3A_512, %get3A_513] {strides = array<i32>} : memref<8x16xi32, #tpu.memory_space<vmem>>, vector<16xi32>,
      %broadcast_in_dim3A_515 = arith.constant true
      %broadcast_in_dim3A_516 = vector.broadcast %broadcast_in_dim3A_515 : i1 to vector<16xi1>
      %masked_cumsum3A_517 = tpu.scan <sum>, %get3A_514 masked %broadcast_in_dim3A_516 : vector<16xi32>, vector<16xi1> -> vector<16xi32>
      %add3A_518 = vector.broadcast %scan3A_509 : i32 to vector<16xi32>
      %add3A_519 = arith.addi %add3A_518, %masked_cumsum3A_517 : vector<16xi32>
      %lt3A_520 = arith.constant 131072 : i32
      %lt3A_521 = vector.broadcast %lt3A_520 : i32 to vector<16xi32>
      %lt3A_522 = arith.cmpi slt, %add3A_519, %lt3A_521 : vector<16xi32>
      %not3A = arith.constant true
      %not3A_523 = arith.xori %scan3A_511, %not3A : i1
      %and3A = vector.broadcast %not3A_523 : i1 to vector<16xi1>
      %and3A_524 = arith.andi %lt3A_522, %and3A : vector<16xi1>
      %jit3A_525 = arith.constant 0 : i32
      %broadcast_in_dim3A_526 = vector.broadcast %jit3A_525 : i32 to vector<16xi32>
      %select_n3A_527 = arith.select %and3A_524, %get3A_514, %broadcast_in_dim3A_526 : vector<16xi1>, vector<16xi32>
      %reduce_sum3A_528 = arith.constant true
      %reduce_sum3A_529 = vector.broadcast %reduce_sum3A_528 : i1 to vector<16xi1>
      %reduce_sum3A_530 = tpu.scan <sum>, %select_n3A_527 masked %reduce_sum3A_529 : vector<16xi32>, vector<16xi1> -> vector<16xi32>
      %reduce_sum3A_531 = vector.extract %reduce_sum3A_530[15] : i32 from vector<16xi32>
      %convert_element_type3A_532 = arith.extui %lt3A_522 : vector<16xi1> to vector<16xi32>
      %reduce_sum3A_533 = arith.constant true
      %reduce_sum3A_534 = vector.broadcast %reduce_sum3A_533 : i1 to vector<16xi1>
      %reduce_sum3A_535 = tpu.scan <sum>, %convert_element_type3A_532 masked %reduce_sum3A_534 : vector<16xi32>, vector<16xi1> -> vector<16xi32>
      %reduce_sum3A_536 = vector.extract %reduce_sum3A_535[15] : i32 from vector<16xi32>
      %lt3A_537 = arith.constant 16 : i32
      %lt3A_538 = arith.cmpi slt, %reduce_sum3A_536, %lt3A_537 : i32
      %and3A_539 = arith.andi %not3A_523, %lt3A_538 : i1
      %mul3A_540 = arith.constant 16 : i32
      %mul3A_541 = arith.muli %scan3A_508, %mul3A_540 : i32
      %add3A_542 = arith.addi %mul3A_541, %reduce_sum3A_536 : i32
      %select_n3A_543 = arith.select %and3A_539, %add3A_542, %scan3A_510 : i32
      %add3A_544 = arith.addi %scan3A_509, %reduce_sum3A_531 : i32
      %or3A_545 = arith.ori %scan3A_511, %and3A_539 : i1
      scf.yield %add3A_544, %select_n3A_543, %or3A_545 : i32, i32, i1
    }
    %scan3A_373 = arith.constant 4 : i32
    %get3A_374 = arith.index_cast %scan3A_372#1 : i32 to index
    %get3A_375 = arith.constant 0 : index
    %get3A_376 = tpu.vector_load %arg8[%get3A_374, %get3A_375] {strides = array<i32>} : memref<128x16xi32, #tpu.memory_space<vmem>>, vector<16xi32>,
    %broadcast_in_dim3A_377 = arith.constant true
    %broadcast_in_dim3A_378 = vector.broadcast %broadcast_in_dim3A_377 : i1 to vector<16xi1>
    %masked_cumsum3A_379 = tpu.scan <sum>, %get3A_376 masked %broadcast_in_dim3A_378 : vector<16xi32>, vector<16xi1> -> vector<16xi32>
    %add3A_380 = vector.broadcast %scan3A_372#0 : i32 to vector<16xi32>
    %add3A_381 = arith.addi %add3A_380, %masked_cumsum3A_379 : vector<16xi32>
    %lt3A_382 = arith.constant 131072 : i32
    %lt3A_383 = vector.broadcast %lt3A_382 : i32 to vector<16xi32>
    %lt3A_384 = arith.cmpi slt, %add3A_381, %lt3A_383 : vector<16xi32>
    %jit3A_385 = arith.constant 0 : i32
    %broadcast_in_dim3A_386 = vector.broadcast %jit3A_385 : i32 to vector<16xi32>
    %select_n3A_387 = arith.select %lt3A_384, %get3A_376, %broadcast_in_dim3A_386 : vector<16xi1>, vector<16xi32>
    %reduce_sum3A_388 = arith.constant true
    %reduce_sum3A_389 = vector.broadcast %reduce_sum3A_388 : i1 to vector<16xi1>
    %reduce_sum3A_390 = tpu.scan <sum>, %select_n3A_387 masked %reduce_sum3A_389 : vector<16xi32>, vector<16xi1> -> vector<16xi32>
    %reduce_sum3A_391 = vector.extract %reduce_sum3A_390[15] : i32 from vector<16xi32>
    %add3A_392 = arith.addi %scan3A_372#0, %reduce_sum3A_391 : i32
    %convert_element_type3A_393 = arith.extui %lt3A_384 : vector<16xi1> to vector<16xi32>
    %reduce_sum3A_394 = arith.constant true
    %reduce_sum3A_395 = vector.broadcast %reduce_sum3A_394 : i1 to vector<16xi1>
    %reduce_sum3A_396 = tpu.scan <sum>, %convert_element_type3A_393 masked %reduce_sum3A_395 : vector<16xi32>, vector<16xi1> -> vector<16xi32>
    %reduce_sum3A_397 = vector.extract %reduce_sum3A_396[15] : i32 from vector<16xi32>
    %mul3A_398 = arith.constant 16 : i32
    %mul3A_399 = arith.muli %scan3A_372#1, %mul3A_398 : i32
    %add3A_400 = arith.addi %mul3A_399, %reduce_sum3A_397 : i32
    "tpu.trace_stop"() : () -> ()
    %shift_left3A_401 = arith.constant 10 : i32
    %shift_left3A_402 = arith.shli %add3A_400, %shift_left3A_401 : i32
    %or3A_403 = arith.ori %or3A_314, %shift_left3A_402 : i32
    %parallel_loop3A_404 = arith.constant 0 : i32
    %parallel_loop3A_405 = arith.constant 128 : i32
    %parallel_loop3A_406 = arith.constant 1 : i32
    scf.for %parallel_loop3A_508 = %parallel_loop3A_404 to %parallel_loop3A_405 step %parallel_loop3A_406  : i32 {
      %parallel_loop3A_509 = arith.index_cast %parallel_loop3A_508 : i32 to index
      %parallel_loop3A_510 = arith.constant 0 : index
      %parallel_loop3A_511 = tpu.vector_load %arg8[%parallel_loop3A_509, %parallel_loop3A_510] {strides = array<i32>} : memref<128x16xi32, #tpu.memory_space<vmem>>, vector<16xi32>,
      tpu.vector_store %arg8[%parallel_loop3A_509, %parallel_loop3A_510], %broadcast_in_dim3A_141 {strides = array<i32>} : memref<128x16xi32, #tpu.memory_space<vmem>>, vector<16xi32>,
    } {sc.loop_unroll_factor = 4 : i64, sc.parallel_access}
    %eq3A_407 = arith.constant 0 : i32
    %eq3A_408 = arith.cmpi eq, %arg1, %eq3A_407 : i32
    %convert_element_type3A_409 = arith.extui %eq3A_408 : i1 to i32
    %cond3A_410 = arith.constant 0 : i32
    %cond3A_411 = arith.cmpi ne, %convert_element_type3A_409, %cond3A_410 : i32
    scf.if %cond3A_411 {
      "tpu.region"() ({
        %run_scoped3A = tpu.sem_alloc : memref<!tpu.dma_semaphore, #tpu.memory_space<semaphore_mem>>
        tpu.enqueue_dma source(%arg8 : memref<128x16xi32, #tpu.memory_space<vmem>>) target(%arg13 : memref<128x16xi32, #tpu.memory_space<vmem_shared>>) target_semaphore(%run_scoped3A : memref<!tpu.dma_semaphore, #tpu.memory_space<semaphore_mem>>)
        tpu.wait_dma2 semaphore(%run_scoped3A : memref<!tpu.dma_semaphore, #tpu.memory_space<semaphore_mem>>) src(%arg8 : memref<128x16xi32, #tpu.memory_space<vmem>>) dst(%arg13 : memref<128x16xi32, #tpu.memory_space<vmem_shared>>)
        tpu.yield
      }) : () -> ()
    } else {
    }
    %barrier3A_412 = arith.constant 0 : index
    tpu.barrier barrier_id(%barrier3A_412)
    %shift_right_logical3A_413 = arith.constant 10 : i32
    %shift_right_logical3A_414 = arith.shrui %or3A_403, %shift_right_logical3A_413 : i32
    %parallel_loop3A_415 = arith.constant 0 : i32
    %parallel_loop3A_416 = arith.constant 2048 : i32
    %parallel_loop3A_417 = arith.constant 1 : i32
    "tpu.trace_start"() <{level = 10 : i32, message = "scan2"}> : () -> ()
    scf.for %parallel_loop3A_508 = %parallel_loop3A_415 to %parallel_loop3A_416 step %parallel_loop3A_417  : i32 {
      %parallel_loop3A_509 = arith.index_cast %parallel_loop3A_508 : i32 to index
      %parallel_loop3A_510 = arith.constant 0 : index
      %parallel_loop3A_511 = tpu.vector_load %arg7[%parallel_loop3A_509, %parallel_loop3A_510] {strides = array<i32>} : memref<2048x16xi32, #tpu.memory_space<vmem>>, vector<16xi32>,
      %parallel_loop3A_512 = arith.constant 10 : i32
      %parallel_loop3A_513 = vector.broadcast %parallel_loop3A_512 : i32 to vector<16xi32>
      %parallel_loop3A_514 = arith.shrui %parallel_loop3A_511, %parallel_loop3A_513 : vector<16xi32>
      %parallel_loop3A_515 = vector.broadcast %shift_right_logical3A_414 : i32 to vector<16xi32>
      %parallel_loop3A_516 = arith.cmpi eq, %parallel_loop3A_514, %parallel_loop3A_515 : vector<16xi32>
      %parallel_loop3A_517 = arith.constant 0 : i32
      %parallel_loop3A_518 = vector.broadcast %parallel_loop3A_517 : i32 to vector<16xi32>
      %parallel_loop3A_519 = arith.shrui %parallel_loop3A_511, %parallel_loop3A_518 : vector<16xi32>
      %parallel_loop3A_520 = arith.constant 1023 : i32
      %parallel_loop3A_521 = vector.broadcast %parallel_loop3A_520 : i32 to vector<16xi32>
      %parallel_loop3A_522 = arith.andi %parallel_loop3A_519, %parallel_loop3A_521 : vector<16xi32>
      %parallel_loop3A_523 = arith.constant 4 : i32
      %parallel_loop3A_524 = vector.broadcast %parallel_loop3A_523 : i32 to vector<16xi32>
      %parallel_loop3A_525 = arith.shrui %parallel_loop3A_522, %parallel_loop3A_524 : vector<16xi32>
      %parallel_loop3A_526 = arith.constant 15 : i32
      %parallel_loop3A_527 = vector.broadcast %parallel_loop3A_526 : i32 to vector<16xi32>
      %parallel_loop3A_528 = arith.andi %parallel_loop3A_522, %parallel_loop3A_527 : vector<16xi32>
      tpu.vector_store_idx %arg8[%parallel_loop3A_525, %parallel_loop3A_528], %broadcast_in_dim3A_145 masked %parallel_loop3A_516 {add = true} : memref<128x16xi32, #tpu.memory_space<vmem>>[vector<16xi32>, vector<16xi32>], vector<16xi32>, vector<16xi1>
    } {sc.loop_unroll_factor = 8 : i64, sc.parallel_access}
    "tpu.trace_stop"() : () -> ()
    "tpu.trace_start"() <{level = 10 : i32, message = "combine2"}> : () -> ()
    "tpu.region"() ({
      %run_scoped3A = tpu.sem_alloc : memref<!tpu.dma_semaphore, #tpu.memory_space<semaphore_mem>>
      %dma_start3A_508 = arith.constant 0 : i32
      %dma_start3A_509 = arith.constant 0 : i32
      %dma_start3A_510 = tpu.memref_slice %arg13[%dma_start3A_508, %dma_start3A_509] : memref<128x16xi32, #tpu.memory_space<vmem_shared>> -> memref<128x16xi32, #tpu.memory_space<vmem_shared>>
      tpu.enqueue_indirect_dma source(%arg8 : memref<128x16xi32, #tpu.memory_space<vmem>>) target(%dma_start3A_510 : memref<128x16xi32, #tpu.memory_space<vmem_shared>>) offsets(%arg9 : memref<128xi32, #tpu.memory_space<vmem>>) semaphore(%run_scoped3A : memref<!tpu.dma_semaphore, #tpu.memory_space<semaphore_mem>>) {add = true}
      %dma_wait3A_511 = arith.constant 0 : i32
      %dma_wait3A_512 = arith.constant 0 : i32
      %dma_wait3A_513 = tpu.memref_slice %arg13[%dma_wait3A_511, %dma_wait3A_512] : memref<128x16xi32, #tpu.memory_space<vmem_shared>> -> memref<128x16xi32, #tpu.memory_space<vmem_shared>>
      tpu.wait_indirect_dma semaphore(%run_scoped3A : memref<!tpu.dma_semaphore, #tpu.memory_space<semaphore_mem>>) src(%arg8 : memref<128x16xi32, #tpu.memory_space<vmem>>) dst(%dma_wait3A_513 : memref<128x16xi32, #tpu.memory_space<vmem_shared>>)
      tpu.yield
    }) : () -> ()
    %barrier3A_418 = arith.constant 0 : index
    tpu.barrier barrier_id(%barrier3A_418)
    "tpu.region"() ({
      %run_scoped3A = tpu.sem_alloc : memref<!tpu.dma_semaphore, #tpu.memory_space<semaphore_mem>>
      tpu.enqueue_dma source(%arg13 : memref<128x16xi32, #tpu.memory_space<vmem_shared>>) target(%arg8 : memref<128x16xi32, #tpu.memory_space<vmem>>) target_semaphore(%run_scoped3A : memref<!tpu.dma_semaphore, #tpu.memory_space<semaphore_mem>>)
      tpu.wait_dma2 semaphore(%run_scoped3A : memref<!tpu.dma_semaphore, #tpu.memory_space<semaphore_mem>>) src(%arg13 : memref<128x16xi32, #tpu.memory_space<vmem_shared>>) dst(%arg8 : memref<128x16xi32, #tpu.memory_space<vmem>>)
      tpu.yield
    }) : () -> ()
    %barrier3A_419 = arith.constant 0 : index
    tpu.barrier barrier_id(%barrier3A_419)
    %swap3A_420 = arith.constant 0 : i32
    "tpu.trace_stop"() : () -> ()
    "tpu.trace_start"() <{level = 10 : i32, message = "pivot2"}> : () -> ()
    %swap3A_421 = arith.index_cast %swap3A_420 : i32 to index
    %swap3A_422 = arith.constant 0 : index
    %swap3A_423 = tpu.vector_load %arg12[%swap3A_421, %swap3A_422] {strides = array<i32>} : memref<8x16xi32, #tpu.memory_space<vmem>>, vector<16xi32>,
    tpu.vector_store %arg12[%swap3A_421, %swap3A_422], %broadcast_in_dim3A_141 {strides = array<i32>} : memref<8x16xi32, #tpu.memory_space<vmem>>, vector<16xi32>,
    %swap3A_424 = arith.constant 1 : i32
    %swap3A_425 = arith.index_cast %swap3A_424 : i32 to index
    %swap3A_426 = arith.constant 0 : index
    %swap3A_427 = tpu.vector_load %arg12[%swap3A_425, %swap3A_426] {strides = array<i32>} : memref<8x16xi32, #tpu.memory_space<vmem>>, vector<16xi32>,
    tpu.vector_store %arg12[%swap3A_425, %swap3A_426], %broadcast_in_dim3A_141 {strides = array<i32>} : memref<8x16xi32, #tpu.memory_space<vmem>>, vector<16xi32>,
    %swap3A_428 = arith.constant 2 : i32
    %swap3A_429 = arith.index_cast %swap3A_428 : i32 to index
    %swap3A_430 = arith.constant 0 : index
    %swap3A_431 = tpu.vector_load %arg12[%swap3A_429, %swap3A_430] {strides = array<i32>} : memref<8x16xi32, #tpu.memory_space<vmem>>, vector<16xi32>,
    tpu.vector_store %arg12[%swap3A_429, %swap3A_430], %broadcast_in_dim3A_141 {strides = array<i32>} : memref<8x16xi32, #tpu.memory_space<vmem>>, vector<16xi32>,
    %swap3A_432 = arith.constant 3 : i32
    %swap3A_433 = arith.index_cast %swap3A_432 : i32 to index
    %swap3A_434 = arith.constant 0 : index
    %swap3A_435 = tpu.vector_load %arg12[%swap3A_433, %swap3A_434] {strides = array<i32>} : memref<8x16xi32, #tpu.memory_space<vmem>>, vector<16xi32>,
    tpu.vector_store %arg12[%swap3A_433, %swap3A_434], %broadcast_in_dim3A_141 {strides = array<i32>} : memref<8x16xi32, #tpu.memory_space<vmem>>, vector<16xi32>,
    %swap3A_436 = arith.constant 4 : i32
    %swap3A_437 = arith.index_cast %swap3A_436 : i32 to index
    %swap3A_438 = arith.constant 0 : index
    %swap3A_439 = tpu.vector_load %arg12[%swap3A_437, %swap3A_438] {strides = array<i32>} : memref<8x16xi32, #tpu.memory_space<vmem>>, vector<16xi32>,
    tpu.vector_store %arg12[%swap3A_437, %swap3A_438], %broadcast_in_dim3A_141 {strides = array<i32>} : memref<8x16xi32, #tpu.memory_space<vmem>>, vector<16xi32>,
    %swap3A_440 = arith.constant 5 : i32
    %swap3A_441 = arith.index_cast %swap3A_440 : i32 to index
    %swap3A_442 = arith.constant 0 : index
    %swap3A_443 = tpu.vector_load %arg12[%swap3A_441, %swap3A_442] {strides = array<i32>} : memref<8x16xi32, #tpu.memory_space<vmem>>, vector<16xi32>,
    tpu.vector_store %arg12[%swap3A_441, %swap3A_442], %broadcast_in_dim3A_141 {strides = array<i32>} : memref<8x16xi32, #tpu.memory_space<vmem>>, vector<16xi32>,
    %swap3A_444 = arith.constant 6 : i32
    %swap3A_445 = arith.index_cast %swap3A_444 : i32 to index
    %swap3A_446 = arith.constant 0 : index
    %swap3A_447 = tpu.vector_load %arg12[%swap3A_445, %swap3A_446] {strides = array<i32>} : memref<8x16xi32, #tpu.memory_space<vmem>>, vector<16xi32>,
    tpu.vector_store %arg12[%swap3A_445, %swap3A_446], %broadcast_in_dim3A_141 {strides = array<i32>} : memref<8x16xi32, #tpu.memory_space<vmem>>, vector<16xi32>,
    %swap3A_448 = arith.constant 7 : i32
    %swap3A_449 = arith.index_cast %swap3A_448 : i32 to index
    %swap3A_450 = arith.constant 0 : index
    %swap3A_451 = tpu.vector_load %arg12[%swap3A_449, %swap3A_450] {strides = array<i32>} : memref<8x16xi32, #tpu.memory_space<vmem>>, vector<16xi32>,
    tpu.vector_store %arg12[%swap3A_449, %swap3A_450], %broadcast_in_dim3A_141 {strides = array<i32>} : memref<8x16xi32, #tpu.memory_space<vmem>>, vector<16xi32>,
    %parallel_loop3A_452 = arith.constant 0 : i32
    %parallel_loop3A_453 = arith.constant 64 : i32
    %parallel_loop3A_454 = arith.constant 1 : i32
    scf.for %parallel_loop3A_508 = %parallel_loop3A_452 to %parallel_loop3A_453 step %parallel_loop3A_454  : i32 {
      %parallel_loop3A_509 = arith.index_cast %parallel_loop3A_508 : i32 to index
      %parallel_loop3A_510 = arith.constant 0 : index
      %parallel_loop3A_511 = tpu.vector_load %arg8[%parallel_loop3A_509, %parallel_loop3A_510] {strides = array<i32>} : memref<128x16xi32, #tpu.memory_space<vmem>>, vector<16xi32>,
      %parallel_loop3A_512 = arith.constant true
      %parallel_loop3A_513 = vector.broadcast %parallel_loop3A_512 : i1 to vector<16xi1>
      %parallel_loop3A_514 = tpu.scan <sum>, %parallel_loop3A_511 masked %parallel_loop3A_513 : vector<16xi32>, vector<16xi1> -> vector<16xi32>
      %parallel_loop3A_515 = arith.constant 4 : i32
      %parallel_loop3A_516 = arith.shrui %parallel_loop3A_508, %parallel_loop3A_515 : i32
      %parallel_loop3A_517 = vector.broadcast %parallel_loop3A_516 : i32 to vector<16xi32>
      %parallel_loop3A_518 = arith.addi %broadcast_in_dim3A_141, %parallel_loop3A_517 : vector<16xi32>
      %parallel_loop3A_519 = arith.constant 15 : i32
      %parallel_loop3A_520 = arith.andi %parallel_loop3A_508, %parallel_loop3A_519 : i32
      %parallel_loop3A_521 = vector.broadcast %parallel_loop3A_520 : i32 to vector<16xi32>
      %parallel_loop3A_522 = arith.addi %broadcast_in_dim3A_141, %parallel_loop3A_521 : vector<16xi32>
      tpu.vector_store_idx %arg12[%parallel_loop3A_518, %parallel_loop3A_522], %parallel_loop3A_514 masked %eq3A_148 {add = true} : memref<8x16xi32, #tpu.memory_space<vmem>>[vector<16xi32>, vector<16xi32>], vector<16xi32>, vector<16xi1>
    } {sc.loop_unroll_factor = 4 : i64, sc.parallel_access}
    %scan3A_455 = arith.constant 0 : i32
    %scan3A_456 = arith.constant false
    %scan3A_457 = arith.constant 0 : i32
    %scan3A_458 = arith.constant 4 : i32
    %scan3A_459 = arith.addi %scan3A_457, %scan3A_458 : i32
    %scan3A_460 = arith.constant 1 : i32
    %scan3A_461:3 = scf.for %scan3A_508 = %scan3A_457 to %scan3A_459 step %scan3A_460 iter_args(%scan3A_509 = %add3A_392, %scan3A_510 = %scan3A_455, %scan3A_511 = %scan3A_456) -> (i32, i32, i1)  : i32 {
      %get3A_512 = arith.index_cast %scan3A_508 : i32 to index
      %get3A_513 = arith.constant 0 : index
      %get3A_514 = tpu.vector_load %arg12[%get3A_512, %get3A_513] {strides = array<i32>} : memref<8x16xi32, #tpu.memory_space<vmem>>, vector<16xi32>,
      %broadcast_in_dim3A_515 = arith.constant true
      %broadcast_in_dim3A_516 = vector.broadcast %broadcast_in_dim3A_515 : i1 to vector<16xi1>
      %masked_cumsum3A_517 = tpu.scan <sum>, %get3A_514 masked %broadcast_in_dim3A_516 : vector<16xi32>, vector<16xi1> -> vector<16xi32>
      %add3A_518 = vector.broadcast %scan3A_509 : i32 to vector<16xi32>
      %add3A_519 = arith.addi %add3A_518, %masked_cumsum3A_517 : vector<16xi32>
      %lt3A_520 = arith.constant 131072 : i32
      %lt3A_521 = vector.broadcast %lt3A_520 : i32 to vector<16xi32>
      %lt3A_522 = arith.cmpi slt, %add3A_519, %lt3A_521 : vector<16xi32>
      %not3A = arith.constant true
      %not3A_523 = arith.xori %scan3A_511, %not3A : i1
      %and3A = vector.broadcast %not3A_523 : i1 to vector<16xi1>
      %and3A_524 = arith.andi %lt3A_522, %and3A : vector<16xi1>
      %jit3A_525 = arith.constant 0 : i32
      %broadcast_in_dim3A_526 = vector.broadcast %jit3A_525 : i32 to vector<16xi32>
      %select_n3A_527 = arith.select %and3A_524, %get3A_514, %broadcast_in_dim3A_526 : vector<16xi1>, vector<16xi32>
      %reduce_sum3A_528 = arith.constant true
      %reduce_sum3A_529 = vector.broadcast %reduce_sum3A_528 : i1 to vector<16xi1>
      %reduce_sum3A_530 = tpu.scan <sum>, %select_n3A_527 masked %reduce_sum3A_529 : vector<16xi32>, vector<16xi1> -> vector<16xi32>
      %reduce_sum3A_531 = vector.extract %reduce_sum3A_530[15] : i32 from vector<16xi32>
      %convert_element_type3A_532 = arith.extui %lt3A_522 : vector<16xi1> to vector<16xi32>
      %reduce_sum3A_533 = arith.constant true
      %reduce_sum3A_534 = vector.broadcast %reduce_sum3A_533 : i1 to vector<16xi1>
      %reduce_sum3A_535 = tpu.scan <sum>, %convert_element_type3A_532 masked %reduce_sum3A_534 : vector<16xi32>, vector<16xi1> -> vector<16xi32>
      %reduce_sum3A_536 = vector.extract %reduce_sum3A_535[15] : i32 from vector<16xi32>
      %lt3A_537 = arith.constant 16 : i32
      %lt3A_538 = arith.cmpi slt, %reduce_sum3A_536, %lt3A_537 : i32
      %and3A_539 = arith.andi %not3A_523, %lt3A_538 : i1
      %mul3A_540 = arith.constant 16 : i32
      %mul3A_541 = arith.muli %scan3A_508, %mul3A_540 : i32
      %add3A_542 = arith.addi %mul3A_541, %reduce_sum3A_536 : i32
      %select_n3A_543 = arith.select %and3A_539, %add3A_542, %scan3A_510 : i32
      %add3A_544 = arith.addi %scan3A_509, %reduce_sum3A_531 : i32
      %or3A_545 = arith.ori %scan3A_511, %and3A_539 : i1
      scf.yield %add3A_544, %select_n3A_543, %or3A_545 : i32, i32, i1
    }
    %scan3A_462 = arith.constant 4 : i32
    %get3A_463 = arith.index_cast %scan3A_461#1 : i32 to index
    %get3A_464 = arith.constant 0 : index
    %get3A_465 = tpu.vector_load %arg8[%get3A_463, %get3A_464] {strides = array<i32>} : memref<128x16xi32, #tpu.memory_space<vmem>>, vector<16xi32>,
    %broadcast_in_dim3A_466 = arith.constant true
    %broadcast_in_dim3A_467 = vector.broadcast %broadcast_in_dim3A_466 : i1 to vector<16xi1>
    %masked_cumsum3A_468 = tpu.scan <sum>, %get3A_465 masked %broadcast_in_dim3A_467 : vector<16xi32>, vector<16xi1> -> vector<16xi32>
    %add3A_469 = vector.broadcast %scan3A_461#0 : i32 to vector<16xi32>
    %add3A_470 = arith.addi %add3A_469, %masked_cumsum3A_468 : vector<16xi32>
    %lt3A_471 = arith.constant 131072 : i32
    %lt3A_472 = vector.broadcast %lt3A_471 : i32 to vector<16xi32>
    %lt3A_473 = arith.cmpi slt, %add3A_470, %lt3A_472 : vector<16xi32>
    %jit3A_474 = arith.constant 0 : i32
    %broadcast_in_dim3A_475 = vector.broadcast %jit3A_474 : i32 to vector<16xi32>
    %select_n3A_476 = arith.select %lt3A_473, %get3A_465, %broadcast_in_dim3A_475 : vector<16xi1>, vector<16xi32>
    %reduce_sum3A_477 = arith.constant true
    %reduce_sum3A_478 = vector.broadcast %reduce_sum3A_477 : i1 to vector<16xi1>
    %reduce_sum3A_479 = tpu.scan <sum>, %select_n3A_476 masked %reduce_sum3A_478 : vector<16xi32>, vector<16xi1> -> vector<16xi32>
    %reduce_sum3A_480 = vector.extract %reduce_sum3A_479[15] : i32 from vector<16xi32>
    %add3A_481 = arith.addi %scan3A_461#0, %reduce_sum3A_480 : i32
    %convert_element_type3A_482 = arith.extui %lt3A_473 : vector<16xi1> to vector<16xi32>
    %reduce_sum3A_483 = arith.constant true
    %reduce_sum3A_484 = vector.broadcast %reduce_sum3A_483 : i1 to vector<16xi1>
    %reduce_sum3A_485 = tpu.scan <sum>, %convert_element_type3A_482 masked %reduce_sum3A_484 : vector<16xi32>, vector<16xi1> -> vector<16xi32>
    %reduce_sum3A_486 = vector.extract %reduce_sum3A_485[15] : i32 from vector<16xi32>
    %mul3A_487 = arith.constant 16 : i32
    %mul3A_488 = arith.muli %scan3A_461#1, %mul3A_487 : i32
    %add3A_489 = arith.addi %mul3A_488, %reduce_sum3A_486 : i32
    "tpu.trace_stop"() : () -> ()
    %shift_left3A_490 = arith.constant 0 : i32
    %shift_left3A_491 = arith.shli %add3A_489, %shift_left3A_490 : i32
    %or3A_492 = arith.ori %or3A_403, %shift_left3A_491 : i32
    %parallel_loop3A_493 = arith.constant 0 : i32
    %parallel_loop3A_494 = arith.constant 2048 : i32
    %parallel_loop3A_495 = arith.constant 4 : i32
    "tpu.trace_start"() <{level = 10 : i32, message = "fsum"}> : () -> ()
    %parallel_loop3A_496:4 = scf.for %parallel_loop3A_508 = %parallel_loop3A_493 to %parallel_loop3A_494 step %parallel_loop3A_495 iter_args(%parallel_loop3A_509 = %broadcast_in_dim3A_143, %parallel_loop3A_510 = %broadcast_in_dim3A_143, %parallel_loop3A_511 = %broadcast_in_dim3A_143, %parallel_loop3A_512 = %broadcast_in_dim3A_143) -> (vector<16xf32>, vector<16xf32>, vector<16xf32>, vector<16xf32>)  : i32 {
      %parallel_loop3A_513 = arith.constant 0 : i32
      %parallel_loop3A_514 = arith.addi %parallel_loop3A_508, %parallel_loop3A_513 : i32
      %parallel_loop3A_515 = arith.index_cast %parallel_loop3A_514 : i32 to index
      %parallel_loop3A_516 = arith.constant 0 : index
      %parallel_loop3A_517 = tpu.vector_load %arg7[%parallel_loop3A_515, %parallel_loop3A_516] {strides = array<i32>} : memref<2048x16xi32, #tpu.memory_space<vmem>>, vector<16xi32>,
      %parallel_loop3A_518 = vector.broadcast %or3A_492 : i32 to vector<16xi32>
      %parallel_loop3A_519 = arith.cmpi slt, %parallel_loop3A_517, %parallel_loop3A_518 : vector<16xi32>
      %parallel_loop3A_520 = tpu.bitcast %parallel_loop3A_517 : vector<16xi32> -> vector<16xf32>
      %parallel_loop3A_521 = arith.select %parallel_loop3A_519, %parallel_loop3A_520, %broadcast_in_dim3A_143 : vector<16xi1>, vector<16xf32>
      %parallel_loop3A_522 = arith.addf %parallel_loop3A_509, %parallel_loop3A_521 : vector<16xf32>
      %parallel_loop3A_523 = arith.constant 1 : i32
      %parallel_loop3A_524 = arith.addi %parallel_loop3A_508, %parallel_loop3A_523 : i32
      %parallel_loop3A_525 = arith.index_cast %parallel_loop3A_524 : i32 to index
      %parallel_loop3A_526 = arith.constant 0 : index
      %parallel_loop3A_527 = tpu.vector_load %arg7[%parallel_loop3A_525, %parallel_loop3A_526] {strides = array<i32>} : memref<2048x16xi32, #tpu.memory_space<vmem>>, vector<16xi32>,
      %parallel_loop3A_528 = vector.broadcast %or3A_492 : i32 to vector<16xi32>
      %parallel_loop3A_529 = arith.cmpi slt, %parallel_loop3A_527, %parallel_loop3A_528 : vector<16xi32>
      %parallel_loop3A_530 = tpu.bitcast %parallel_loop3A_527 : vector<16xi32> -> vector<16xf32>
      %parallel_loop3A_531 = arith.select %parallel_loop3A_529, %parallel_loop3A_530, %broadcast_in_dim3A_143 : vector<16xi1>, vector<16xf32>
      %parallel_loop3A_532 = arith.addf %parallel_loop3A_510, %parallel_loop3A_531 : vector<16xf32>
      %parallel_loop3A_533 = arith.constant 2 : i32
      %parallel_loop3A_534 = arith.addi %parallel_loop3A_508, %parallel_loop3A_533 : i32
      %parallel_loop3A_535 = arith.index_cast %parallel_loop3A_534 : i32 to index
      %parallel_loop3A_536 = arith.constant 0 : index
      %parallel_loop3A_537 = tpu.vector_load %arg7[%parallel_loop3A_535, %parallel_loop3A_536] {strides = array<i32>} : memref<2048x16xi32, #tpu.memory_space<vmem>>, vector<16xi32>,
      %parallel_loop3A_538 = vector.broadcast %or3A_492 : i32 to vector<16xi32>
      %parallel_loop3A_539 = arith.cmpi slt, %parallel_loop3A_537, %parallel_loop3A_538 : vector<16xi32>
      %parallel_loop3A_540 = tpu.bitcast %parallel_loop3A_537 : vector<16xi32> -> vector<16xf32>
      %parallel_loop3A_541 = arith.select %parallel_loop3A_539, %parallel_loop3A_540, %broadcast_in_dim3A_143 : vector<16xi1>, vector<16xf32>
      %parallel_loop3A_542 = arith.addf %parallel_loop3A_511, %parallel_loop3A_541 : vector<16xf32>
      %parallel_loop3A_543 = arith.constant 3 : i32
      %parallel_loop3A_544 = arith.addi %parallel_loop3A_508, %parallel_loop3A_543 : i32
      %parallel_loop3A_545 = arith.index_cast %parallel_loop3A_544 : i32 to index
      %parallel_loop3A_546 = arith.constant 0 : index
      %parallel_loop3A_547 = tpu.vector_load %arg7[%parallel_loop3A_545, %parallel_loop3A_546] {strides = array<i32>} : memref<2048x16xi32, #tpu.memory_space<vmem>>, vector<16xi32>,
      %parallel_loop3A_548 = vector.broadcast %or3A_492 : i32 to vector<16xi32>
      %parallel_loop3A_549 = arith.cmpi slt, %parallel_loop3A_547, %parallel_loop3A_548 : vector<16xi32>
      %parallel_loop3A_550 = tpu.bitcast %parallel_loop3A_547 : vector<16xi32> -> vector<16xf32>
      %parallel_loop3A_551 = arith.select %parallel_loop3A_549, %parallel_loop3A_550, %broadcast_in_dim3A_143 : vector<16xi1>, vector<16xf32>
      %parallel_loop3A_552 = arith.addf %parallel_loop3A_512, %parallel_loop3A_551 : vector<16xf32>
      scf.yield %parallel_loop3A_522, %parallel_loop3A_532, %parallel_loop3A_542, %parallel_loop3A_552 : vector<16xf32>, vector<16xf32>, vector<16xf32>, vector<16xf32>
    } {sc.loop_unroll_factor = 2 : i64, sc.parallel_access}
    "tpu.trace_stop"() : () -> ()
    %add3A_497 = arith.addf %parallel_loop3A_496#0, %parallel_loop3A_496#1 : vector<16xf32>
    %add3A_498 = arith.addf %parallel_loop3A_496#2, %parallel_loop3A_496#3 : vector<16xf32>
    %add3A_499 = arith.addf %add3A_497, %add3A_498 : vector<16xf32>
    %swap3A_500 = arith.constant 0 : index
    %swap3A_501 = tpu.vector_load %arg10[%swap3A_500] {strides = array<i32>} : memref<16xf32, #tpu.memory_space<vmem>>, vector<16xf32>,
    tpu.vector_store %arg10[%swap3A_500], %add3A_499 {strides = array<i32>} : memref<16xf32, #tpu.memory_space<vmem>>, vector<16xf32>,
    "tpu.region"() ({
      %run_scoped3A = tpu.sem_alloc : memref<!tpu.dma_semaphore, #tpu.memory_space<semaphore_mem>>
      %dma_start3A_508 = arith.constant 0 : i32
      %dma_start3A_509 = tpu.memref_slice %arg14[%arg1, %dma_start3A_508] : memref<16x16xf32, #tpu.memory_space<vmem_shared>> -> memref<1x16xf32, #tpu.memory_space<vmem_shared>>
      %dma_start3A_510 = tpu.memref_squeeze %dma_start3A_509 : memref<1x16xf32, #tpu.memory_space<vmem_shared>> -> memref<16xf32, #tpu.memory_space<vmem_shared>>
      %dma_start3A_511 = arith.constant 0 : i32
      %dma_start3A_512 = tpu.memref_slice %arg14[%arg1, %dma_start3A_511] : memref<16x16xf32, #tpu.memory_space<vmem_shared>> -> memref<1x16xf32, #tpu.memory_space<vmem_shared>>
      %dma_start3A_513 = tpu.memref_squeeze %dma_start3A_512 : memref<1x16xf32, #tpu.memory_space<vmem_shared>> -> memref<16xf32, #tpu.memory_space<vmem_shared>>
      tpu.enqueue_dma source(%arg10 : memref<16xf32, #tpu.memory_space<vmem>>) target(%dma_start3A_513 : memref<16xf32, #tpu.memory_space<vmem_shared>>) target_semaphore(%run_scoped3A : memref<!tpu.dma_semaphore, #tpu.memory_space<semaphore_mem>>)
      %dma_wait3A_514 = arith.constant 0 : i32
      %dma_wait3A_515 = tpu.memref_slice %arg14[%arg1, %dma_wait3A_514] : memref<16x16xf32, #tpu.memory_space<vmem_shared>> -> memref<1x16xf32, #tpu.memory_space<vmem_shared>>
      %dma_wait3A_516 = tpu.memref_squeeze %dma_wait3A_515 : memref<1x16xf32, #tpu.memory_space<vmem_shared>> -> memref<16xf32, #tpu.memory_space<vmem_shared>>
      %dma_wait3A_517 = arith.constant 0 : i32
      %dma_wait3A_518 = tpu.memref_slice %arg14[%arg1, %dma_wait3A_517] : memref<16x16xf32, #tpu.memory_space<vmem_shared>> -> memref<1x16xf32, #tpu.memory_space<vmem_shared>>
      %dma_wait3A_519 = tpu.memref_squeeze %dma_wait3A_518 : memref<1x16xf32, #tpu.memory_space<vmem_shared>> -> memref<16xf32, #tpu.memory_space<vmem_shared>>
      tpu.wait_dma2 semaphore(%run_scoped3A : memref<!tpu.dma_semaphore, #tpu.memory_space<semaphore_mem>>) src(%arg10 : memref<16xf32, #tpu.memory_space<vmem>>) dst(%dma_wait3A_519 : memref<16xf32, #tpu.memory_space<vmem_shared>>)
      tpu.yield
    }) : () -> ()
    %barrier3A_502 = arith.constant 0 : index
    tpu.barrier barrier_id(%barrier3A_502)
    %eq3A_503 = arith.constant 0 : i32
    %eq3A_504 = arith.cmpi eq, %arg1, %eq3A_503 : i32
    %convert_element_type3A_505 = arith.extui %eq3A_504 : i1 to i32
    %cond3A_506 = arith.constant 0 : i32
    %cond3A_507 = arith.cmpi ne, %convert_element_type3A_505, %cond3A_506 : i32
    scf.if %cond3A_507 {
      "tpu.region"() ({
        %run_scoped3A = tpu.sem_alloc : memref<!tpu.dma_semaphore, #tpu.memory_space<semaphore_mem>>
        tpu.enqueue_dma source(%arg14 : memref<16x16xf32, #tpu.memory_space<vmem_shared>>) target(%arg11 : memref<16x16xf32, #tpu.memory_space<vmem>>) target_semaphore(%run_scoped3A : memref<!tpu.dma_semaphore, #tpu.memory_space<semaphore_mem>>)
        tpu.wait_dma2 semaphore(%run_scoped3A : memref<!tpu.dma_semaphore, #tpu.memory_space<semaphore_mem>>) src(%arg14 : memref<16x16xf32, #tpu.memory_space<vmem_shared>>) dst(%arg11 : memref<16x16xf32, #tpu.memory_space<vmem>>)
        tpu.yield
      }) : () -> ()
      %get3A_508 = arith.constant 0 : i32
      %get3A_509 = arith.index_cast %get3A_508 : i32 to index
      %get3A_510 = arith.constant 0 : index
      %get3A_511 = tpu.vector_load %arg11[%get3A_509, %get3A_510] {strides = array<i32>} : memref<16x16xf32, #tpu.memory_space<vmem>>, vector<16xf32>,
      %get3A_512 = arith.constant 1 : i32
      %get3A_513 = arith.index_cast %get3A_512 : i32 to index
      %get3A_514 = arith.constant 0 : index
      %get3A_515 = tpu.vector_load %arg11[%get3A_513, %get3A_514] {strides = array<i32>} : memref<16x16xf32, #tpu.memory_space<vmem>>, vector<16xf32>,
      %add3A_516 = arith.addf %get3A_511, %get3A_515 : vector<16xf32>
      %get3A_517 = arith.constant 2 : i32
      %get3A_518 = arith.index_cast %get3A_517 : i32 to index
      %get3A_519 = arith.constant 0 : index
      %get3A_520 = tpu.vector_load %arg11[%get3A_518, %get3A_519] {strides = array<i32>} : memref<16x16xf32, #tpu.memory_space<vmem>>, vector<16xf32>,
      %add3A_521 = arith.addf %add3A_516, %get3A_520 : vector<16xf32>
      %get3A_522 = arith.constant 3 : i32
      %get3A_523 = arith.index_cast %get3A_522 : i32 to index
      %get3A_524 = arith.constant 0 : index
      %get3A_525 = tpu.vector_load %arg11[%get3A_523, %get3A_524] {strides = array<i32>} : memref<16x16xf32, #tpu.memory_space<vmem>>, vector<16xf32>,
      %add3A_526 = arith.addf %add3A_521, %get3A_525 : vector<16xf32>
      %get3A_527 = arith.constant 4 : i32
      %get3A_528 = arith.index_cast %get3A_527 : i32 to index
      %get3A_529 = arith.constant 0 : index
      %get3A_530 = tpu.vector_load %arg11[%get3A_528, %get3A_529] {strides = array<i32>} : memref<16x16xf32, #tpu.memory_space<vmem>>, vector<16xf32>,
      %add3A_531 = arith.addf %add3A_526, %get3A_530 : vector<16xf32>
      %get3A_532 = arith.constant 5 : i32
      %get3A_533 = arith.index_cast %get3A_532 : i32 to index
      %get3A_534 = arith.constant 0 : index
      %get3A_535 = tpu.vector_load %arg11[%get3A_533, %get3A_534] {strides = array<i32>} : memref<16x16xf32, #tpu.memory_space<vmem>>, vector<16xf32>,
      %add3A_536 = arith.addf %add3A_531, %get3A_535 : vector<16xf32>
      %get3A_537 = arith.constant 6 : i32
      %get3A_538 = arith.index_cast %get3A_537 : i32 to index
      %get3A_539 = arith.constant 0 : index
      %get3A_540 = tpu.vector_load %arg11[%get3A_538, %get3A_539] {strides = array<i32>} : memref<16x16xf32, #tpu.memory_space<vmem>>, vector<16xf32>,
      %add3A_541 = arith.addf %add3A_536, %get3A_540 : vector<16xf32>
      %get3A_542 = arith.constant 7 : i32
      %get3A_543 = arith.index_cast %get3A_542 : i32 to index
      %get3A_544 = arith.constant 0 : index
      %get3A_545 = tpu.vector_load %arg11[%get3A_543, %get3A_544] {strides = array<i32>} : memref<16x16xf32, #tpu.memory_space<vmem>>, vector<16xf32>,
      %add3A_546 = arith.addf %add3A_541, %get3A_545 : vector<16xf32>
      %get3A_547 = arith.constant 8 : i32
      %get3A_548 = arith.index_cast %get3A_547 : i32 to index
      %get3A_549 = arith.constant 0 : index
      %get3A_550 = tpu.vector_load %arg11[%get3A_548, %get3A_549] {strides = array<i32>} : memref<16x16xf32, #tpu.memory_space<vmem>>, vector<16xf32>,
      %add3A_551 = arith.addf %add3A_546, %get3A_550 : vector<16xf32>
      %get3A_552 = arith.constant 9 : i32
      %get3A_553 = arith.index_cast %get3A_552 : i32 to index
      %get3A_554 = arith.constant 0 : index
      %get3A_555 = tpu.vector_load %arg11[%get3A_553, %get3A_554] {strides = array<i32>} : memref<16x16xf32, #tpu.memory_space<vmem>>, vector<16xf32>,
      %add3A_556 = arith.addf %add3A_551, %get3A_555 : vector<16xf32>
      %get3A_557 = arith.constant 10 : i32
      %get3A_558 = arith.index_cast %get3A_557 : i32 to index
      %get3A_559 = arith.constant 0 : index
      %get3A_560 = tpu.vector_load %arg11[%get3A_558, %get3A_559] {strides = array<i32>} : memref<16x16xf32, #tpu.memory_space<vmem>>, vector<16xf32>,
      %add3A_561 = arith.addf %add3A_556, %get3A_560 : vector<16xf32>
      %get3A_562 = arith.constant 11 : i32
      %get3A_563 = arith.index_cast %get3A_562 : i32 to index
      %get3A_564 = arith.constant 0 : index
      %get3A_565 = tpu.vector_load %arg11[%get3A_563, %get3A_564] {strides = array<i32>} : memref<16x16xf32, #tpu.memory_space<vmem>>, vector<16xf32>,
      %add3A_566 = arith.addf %add3A_561, %get3A_565 : vector<16xf32>
      %get3A_567 = arith.constant 12 : i32
      %get3A_568 = arith.index_cast %get3A_567 : i32 to index
      %get3A_569 = arith.constant 0 : index
      %get3A_570 = tpu.vector_load %arg11[%get3A_568, %get3A_569] {strides = array<i32>} : memref<16x16xf32, #tpu.memory_space<vmem>>, vector<16xf32>,
      %add3A_571 = arith.addf %add3A_566, %get3A_570 : vector<16xf32>
      %get3A_572 = arith.constant 13 : i32
      %get3A_573 = arith.index_cast %get3A_572 : i32 to index
      %get3A_574 = arith.constant 0 : index
      %get3A_575 = tpu.vector_load %arg11[%get3A_573, %get3A_574] {strides = array<i32>} : memref<16x16xf32, #tpu.memory_space<vmem>>, vector<16xf32>,
      %add3A_576 = arith.addf %add3A_571, %get3A_575 : vector<16xf32>
      %get3A_577 = arith.constant 14 : i32
      %get3A_578 = arith.index_cast %get3A_577 : i32 to index
      %get3A_579 = arith.constant 0 : index
      %get3A_580 = tpu.vector_load %arg11[%get3A_578, %get3A_579] {strides = array<i32>} : memref<16x16xf32, #tpu.memory_space<vmem>>, vector<16xf32>,
      %add3A_581 = arith.addf %add3A_576, %get3A_580 : vector<16xf32>
      %get3A_582 = arith.constant 15 : i32
      %get3A_583 = arith.index_cast %get3A_582 : i32 to index
      %get3A_584 = arith.constant 0 : index
      %get3A_585 = tpu.vector_load %arg11[%get3A_583, %get3A_584] {strides = array<i32>} : memref<16x16xf32, #tpu.memory_space<vmem>>, vector<16xf32>,
      %add3A_586 = arith.addf %add3A_581, %get3A_585 : vector<16xf32>
      %reduce_sum3A_587 = arith.constant true
      %reduce_sum3A_588 = vector.broadcast %reduce_sum3A_587 : i1 to vector<16xi1>
      %reduce_sum3A_589 = tpu.scan <sum>, %add3A_586 masked %reduce_sum3A_588 : vector<16xf32>, vector<16xi1> -> vector<16xf32>
      %reduce_sum3A_590 = vector.extract %reduce_sum3A_589[15] : f32 from vector<16xf32>
      %bitcast_convert_type3A = arith.bitcast %or3A_492 : i32 to f32
      %convert_element_type3A_591 = arith.sitofp %add3A_481 : i32 to f32
      %sub3A = arith.constant 1.310720e+05 : f32
      %sub3A_592 = arith.subf %sub3A, %convert_element_type3A_591 : f32
      %mul3A_593 = arith.mulf %sub3A_592, %bitcast_convert_type3A : f32
      %add3A_594 = arith.addf %reduce_sum3A_590, %mul3A_593 : f32
      %mul3A_595 = arith.constant 7.62939453E-6 : f32
      %mul3A_596 = arith.mulf %add3A_594, %mul3A_595 : f32
      %add3A_597 = vector.broadcast %mul3A_596 : f32 to vector<16xf32>
      %add3A_598 = arith.addf %broadcast_in_dim3A_143, %add3A_597 : vector<16xf32>
      %swap3A_599 = arith.constant 0 : index
      %swap3A_600 = tpu.vector_load %arg10[%swap3A_599] {strides = array<i32>} : memref<16xf32, #tpu.memory_space<vmem>>, vector<16xf32>,
      tpu.vector_store %arg10[%swap3A_599], %add3A_598 {strides = array<i32>} : memref<16xf32, #tpu.memory_space<vmem>>, vector<16xf32>,
      "tpu.region"() ({
        %run_scoped3A = tpu.sem_alloc : memref<!tpu.dma_semaphore, #tpu.memory_space<semaphore_mem>>
        tpu.enqueue_dma source(%arg10 : memref<16xf32, #tpu.memory_space<vmem>>) target(%arg4 : memref<16xf32, #tpu.memory_space<hbm>>) target_semaphore(%run_scoped3A : memref<!tpu.dma_semaphore, #tpu.memory_space<semaphore_mem>>)
        tpu.wait_dma2 semaphore(%run_scoped3A : memref<!tpu.dma_semaphore, #tpu.memory_space<semaphore_mem>>) src(%arg10 : memref<16xf32, #tpu.memory_space<vmem>>) dst(%arg4 : memref<16xf32, #tpu.memory_space<hbm>>)
        tpu.yield
      }) : () -> ()
    } else {
    }
    return
  }
}

</mosaic_0001>

<sc_bundles>
// kernel: kernel.3.cloned.1.call-start
scs
__scs_entry_jumppad:
0x0: {  	(pc) =	sbr.rel $0x88, $3  }
0x1: {  	(tag) =	ssettag $0x0;
	lr =	simm.s32 $0x1  }
0x2: {  	[smem:$0x3F9F] =	sst lr;
	_ =	strace $0xD0000000  }
0x3: {  	_ = 	snop  }
0x4: {  	_ = 	snop  }
0x5: {  	_ = 	snop  }
0x6: {  	_ = 	snop  }
0x7: {  	_ = 	snop  }
__scs_overlays_trampoline_lowered:
0x8: {  	[smem:$0x3FAE] =	sst s0  }
0x9: {  	[smem:$0x3FAF] =	sst s1  }
0xa: {  	[smem:$0x3FB0] =	sst s2  }
0xb: {  	[smem:$0x3FB1] =	sst s3  }
0xc: {  	[smem:$0x3FB2] =	sst s4  }
0xd: {  	[smem:$0x3FB3] =	sst s5  }
0xe: {  	[smem:$0x3FB4] =	sst s6  }
0xf: {  	[smem:$0x3FB5] =	sst s7  }
0x10: {  	[smem:$0x3FB6] =	sst s8  }
0x11: {  	[smem:$0x3FB7] =	sst s9;
	s0 =	simm.s32 @!p0 $0x0  }
0x12: {  	s1 =	sld [smem:$0x3F9D];
	s0 =	simm.s32 @p0 $0x1  }
0x13: {  	[smem:$0x3FB8] =	sst s0;
	s0 =	simm.s32 @!p1 $0x0  }
0x14: {  	s2 =	sld [smem:$0x3F9C];
	s0 =	simm.s32 @p1 $0x1  }
0x15: {  	[smem:$0x3FB9] =	sst s0;
	s0 =	simm.s32 @!p2 $0x0  }
0x16: {  	s3 =	sld [smem:$0x3FDB];
	s0 =	simm.s32 @p2 $0x1  }
0x17: {  	s4 =	simm.s32 $0x1BF5;
	[smem:$0x3FBB] =	sst s0  }
0x18: {  	s0 =	sld [smem:$0x3F9E];
	_ =	swait.ge [sflag:s4], $0x0  }
0x19: {  	s7 =	sld [smem:$0x3F9F]  }
0x1a: {  	s8 =	sadd.s32 $0xFFFFE003, lr  }
0x1b: {  	s9 =	sadd.s32 $0xFFFFFEF7, lr;
	s5 =	simm.s32 $0xFFFFFFFF;
	p2 =	slt.u32 s8, $0xFFFFF086  }
0x1c: {  	p1 =	slt.u32 s9, $0xF7A;
	s5 =	simm.s32 @!p2 $0x0  }
0x1d: {  	s5 =	simm.s32 @p1 $0x1;
	p0 =	seq.s32 s7, s2  }
0x1e: {  	s7 =	smul.u32 @!p0 $0xF7A, s2;
	p2 =	seq.s32 @!p0 s5, $0x0  }
0x1f: {  	s9 =	smul.u32 $0xF7A, s1;
	s8 =	simm.s32 @!p0 $0x1BF5;
	p2 =	por !p2, p0  }
0x20: {  	[sflag:s8] =	ssyncset.s32 @!p0 $0xFFFFF086;
	s6 =	sadd.s32 @!p0 s3, s7;
	s7 =	simm.s32 @!p0 $0x108  }
0x21: {  	s3 =	sadd.s32 s3, s9;
	s6 =	sadd.s32 @!p0 $0x88, s6;
	s7 =	simm.s32 @p2 $0x1082  }
0x22: {  	[simem:s7], [sflag:s8] =	dma.local @!p0 [hbm:s6], $0xF7A  }
0x23: {  	s9 =	sor.u32 $0xD0000000, s2;
	s6 =	simm.s32 $0x108;
	_ =	swait.ge @!p0 [sflag:s8], $0x0  }
0x24: {  	s3 =	sadd.s32 $0x88, s3;
	s6 =	simm.s32 @!p1 $0x1082;
	[sflag:s4] =	ssyncset.s32 $0xFFFFF086  }
0x25: {  	[simem:s6], [sflag:s4] =	dma.local [hbm:s3], $0xF7A  }
0x26: {  	[smem:$0x3F9F] =	sst s1;
	(tag) =	ssettag s2;
	_ =	strace s9  }
0x27: {  	s1 =	sld [smem:$0x3FAF]  }
0x28: {  	s2 =	sld [smem:$0x3FB0]  }
0x29: {  	s4 =	sld [smem:$0x3FB2]  }
0x2a: {  	p0 =	seq.s32 s5, $0x0;
	s5 =	sld [smem:$0x3FB3]  }
0x2b: {  	s6 =	sld [smem:$0x3FB4]  }
0x2c: {  	s7 =	sld [smem:$0x3FB5]  }
0x2d: {  	s3 =	simm.s32 $0x108;
	s8 =	sld [smem:$0x3FB6]  }
0x2e: {  	s3 =	simm.s32 @!p0 $0x1082;
	s9 =	sld [smem:$0x3FB7]  }
0x2f: {  	lr =	sadd.s32 s0, s3;
	s0 =	sld [smem:$0x3FAE]  }
0x30: {  	s3 =	sld [smem:$0x3FB1]  }
0x31: {  	[smem:$0x3FBA] =	sst s10  }
0x32: {  	s10 =	sld [smem:$0x3FB8];
	_ =	sdelay $0x3  }
0x33: {  	p0 =	seq.s32 s10, $0x1;
	s10 =	sld [smem:$0x3FBA];
	_ =	sdelay $0x3  }
0x34: {  	[smem:$0x3FBA] =	sst s10  }
0x35: {  	s10 =	sld [smem:$0x3FB9];
	_ =	sdelay $0x3  }
0x36: {  	p1 =	seq.s32 s10, $0x1;
	s10 =	sld [smem:$0x3FBA];
	_ =	sdelay $0x3  }
0x37: {  	[smem:$0x3FBA] =	sst s10  }
0x38: {  	s10 =	sld [smem:$0x3FBB]  }
0x39: {  	_ = 	snop;
	(pc) =	sbr.ind lr, $3  }
0x3a: {  	_ = 	snop  }
0x3b: {  	_ = 	snop  }
0x3c: {  	p2 =	seq.s32 s10, $0x1;
	s10 =	sld [smem:$0x3FBA]  }
0x3d: {  	_ =	shalt  }
0x3e: {  	_ =	shalt  }
0x3f: {  	_ =	shalt  }
0x40: {  	_ =	shalt  }
0x41: {  	_ =	shalt  }
0x42: {  	_ =	shalt  }
0x43: {  	_ =	shalt  }
0x44: {  	_ =	shalt  }
0x45: {  	_ =	shalt  }
0x46: {  	_ =	shalt  }
0x47: {  	_ =	shalt  }
0x48: {  	_ =	shalt  }
0x49: {  	_ =	shalt  }
0x4a: {  	_ =	shalt  }
0x4b: {  	_ =	shalt  }
0x4c: {  	_ =	shalt  }
0x4d: {  	_ =	shalt  }
0x4e: {  	_ =	shalt  }
0x4f: {  	_ =	shalt  }
0x50: {  	_ =	shalt  }
0x51: {  	_ =	shalt  }
0x52: {  	_ =	shalt  }
0x53: {  	_ =	shalt  }
0x54: {  	_ =	shalt  }
0x55: {  	_ =	shalt  }
0x56: {  	_ =	shalt  }
0x57: {  	_ =	shalt  }
0x58: {  	_ =	shalt  }
0x59: {  	_ =	shalt  }
0x5a: {  	_ =	shalt  }
0x5b: {  	_ =	shalt  }
0x5c: {  	_ =	shalt  }
0x5d: {  	_ =	shalt  }
0x5e: {  	_ =	shalt  }
0x5f: {  	_ =	shalt  }
0x60: {  	_ =	shalt  }
0x61: {  	_ =	shalt  }
0x62: {  	_ =	shalt  }
0x63: {  	_ =	shalt  }
0x64: {  	_ =	shalt  }
0x65: {  	_ =	shalt  }
0x66: {  	_ =	shalt  }
0x67: {  	_ =	shalt  }
0x68: {  	_ =	shalt  }
0x69: {  	_ =	shalt  }
0x6a: {  	_ =	shalt  }
0x6b: {  	_ =	shalt  }
0x6c: {  	_ =	shalt  }
0x6d: {  	_ =	shalt  }
0x6e: {  	_ =	shalt  }
0x6f: {  	_ =	shalt  }
0x70: {  	_ =	shalt  }
0x71: {  	_ =	shalt  }
0x72: {  	_ =	shalt  }
0x73: {  	_ =	shalt  }
0x74: {  	_ =	shalt  }
0x75: {  	_ =	shalt  }
0x76: {  	_ =	shalt  }
0x77: {  	_ =	shalt  }
0x78: {  	_ =	shalt  }
0x79: {  	_ =	shalt  }
0x7a: {  	_ =	shalt  }
0x7b: {  	_ =	shalt  }
0x7c: {  	_ =	shalt  }
0x7d: {  	_ =	shalt  }
0x7e: {  	_ =	shalt  }
0x7f: {  	_ =	shalt  }
0x80: {  	_ =	shalt  }
0x81: {  	_ =	shalt  }
0x82: {  	_ =	shalt  }
0x83: {  	_ =	shalt  }
0x84: {  	_ =	shalt  }
0x85: {  	_ =	shalt  }
0x86: {  	_ =	shalt  }
0x87: {  	_ =	shalt  }
.Lfunc_end0:
.L_simem_size_0:
called_computation_lowered:
.L_overlay_start_0:
0x88: {  	s0 =	sld [smem:$0x3FD9]  }
0x89: {  	s1 =	sld [smem:$0x3FFE];
	_ =	sdelay $0x3  }
0x8a: {  	s0 =	sadd.s32 s1, s0  }
0x8b: {  	[smem:$0x3FC6] =	sst s0  }
0x8c: {  	_ = 	snop  }
0x8d: {  	s0 =	sld [smem:$0x3FD0];
	(tm) =	ssettm $0x1  }
0x8e: {  	s16 =	sld [smem:$0x3FFB];
	_ =	sdelay $0x3  }
0x8f: {  	_ =	strace s16  }
0x90: {  	s1 =	sld [smem:$0x3FFC];
	_ =	sdelay $0x3  }
0x91: {  	_ =	strace s1  }
0x92: {  	s1 =	sld [smem:$0x3FFD];
	_ =	sdelay $0x3  }
0x93: {  	_ =	strace s1  }
0x94: {  	_ =	strace $0x8FFFFFFF  }
0x95: {  	s17 =	sld [smem:$0x3FDB];
	_ =	sdelay $0x1  }
0x96: {  	s2 =	simm.s32 $_scs_section_size  }
0x97: {  	s3 =	simm.s32 $_size__tile_overlayer_lowered;
	s4 =	simm.s32 $_tile_overlayer_lowered  }
0x98: {  	s20 =	simm.s32 $0x1BFF;
	s19 =	sshll.u32 s4, $0x1;
	s1 =	sadd.s32 s2, s17  }
0x99: {  	s5 =	simm.s32 $0x0;
	s18 =	sshll.u32 s3, $0x1;
	s3 =	sadd.s32 s19, s1  }
0x9a: {  	[timem:s5], [sflag:s20] =	dma.local [hbm:s3], s18  }
0x9b: {  	_ =	swait.ge [sflag:s20], s18  }
0x9c: {  	s2 =	ssub.s32 $0x0, s18;
	[sflag:s20] =	ssyncset.done $0x0  }
0x9d: {  	[sflag:s20] =	ssyncadd.s32 s2;
	_ =	sdelay $0x1  }
0x9e: {  	s21 =	simm.s32 $0x1B8B  }
0x9f: {  	_ =	swait.ge [sflag:s21], $0x1  }
0xa0: {  	[sflag:s21] =	ssyncset.done $0x0  }
0xa1: {  	s23 =	simm.s32 $0x1B8E;
	s22 =	sld [smem:$0x3FFE];
	[sflag:s21] =	ssyncadd.s32 $0xFFFFFFFF  }
0xa2: {  	s24 =	simm.s32 $execute0_lowered;
	[smem:$0x3FD2] =	sst s23  }
0xa3: {  	s3 =	sshll.u32 s24, $0x1;
	_ =	strace $0x80000046;
	[dreg:$0x1] =	wrdreg $0xFFFFFFFF  }
0xa4: {  	s25 =	simm.s32 $_size_execute0_lowered;
	s1 =	sadd.s32 s1, s3;
	[dreg:$0x0] =	wrdreg $0x0  }
0xa5: {  	s3 =	sshll.u32 s25, $0x1;
	[dreg:$0x2] =	wrdreg s1  }
0xa6: {  	[dreg:$0x3] =	wrdreg s3  }
0xa7: {  	[dreg:$0x4] =	wrdreg $0xC0  }
0xa8: {  	_ =	task [dreg:s5], $0x5FFFF  }
0xa9: {  	[dreg:$0x1] =	wrdreg $0xFFFFFFFF  }
0xaa: {  	[dreg:$0x0] =	wrdreg $0x60  }
0xab: {  	[dreg:$0x2] =	wrdreg s22  }
0xac: {  	[dreg:$0x3] =	wrdreg s0  }
0xad: {  	[dreg:$0x4] =	wrdreg $0x18A100  }
0xae: {  	[dreg:$0x5] =	wrdreg $0x18A900  }
0xaf: {  	[dreg:$0x6] =	wrdreg $0x9  }
0xb0: {  	_ =	task.clear_ibuf [dreg:s5], $0x7FFFF;
	_ =	strace $0x90000046  }
0xb1: {  	s26 =	simm.s32 $0x9;
	_ =	strace $0x80000053  }
0xb2: {  	_ =	swait.ge [sflag:s26], $0x1  }
0xb3: {  	[sflag:s26] =	ssyncadd.s32 $0xFFFFFFFF  }
0xb4: {  	_ =	strace $0x90000053  }
0xb5: {  	_ =	sfence  }
0xb6: {  	s28 =	sld [smem:$0x0];
	_ =	sdelay $0x1  }
0xb7: {  	s29 =	srdreg.scid  }
0xb8: {  	s30 =	sshll.u32 s29, $0xD;
	s31 =	sshrl.u32 s29, $0x2  }
0xb9: {  	s2 =	sand.u32 $0x4000, s30;
	s1 =	sand.u32 $0x1, s29;
	s0 =	sadd.s32 s31, s28  }
0xba: {  	s1 =	sor.u32 s2, s1;
	s0 =	sshll.u32 s0, $0x11  }
0xbb: {  	s0 =	sor.u32 s0, s1  }
0xbc: {  	s0 =	sadd.s32 $0x8F2B, s0  }
0xbd: {  	[sflag:s0] =	ssyncadd.remote.s32 $0x1  }
0xbe: {  	_ =	sfence.sel $0xFFFF  }
0xbf: {  	[dreg:$0x0] =	wrdreg $0xFFFFFFFF;
	(pc) =	sbr.abs _section_cstart, $3  }
0xc0: {  	[dreg:$0x1] =	wrdreg $0xFFFFFFFF  }
0xc1: {  	_ =	task.clear_ibuf [dreg:s5], $0x2FFFF;
	_ =	strace $0x9FFFFFFF  }
0xc2: {  	(tm) =	ssettm $0x7FFFFFFF  }
0xc3: {  	_ =	shalt  }
tec
execute0_lowered:
.L_overlay_start_1:
0x0: {  	(tag) =	ssettag $0x1  }
0x1: {  	s5 =	rddreg [dreg:$0x0]  }
0x2: {  	s1 =	rddreg [dreg:$0x1]  }
0x3: {  	s4 =	rddreg [dreg:$0x2]  }
0x4: {  	s2 =	rddreg [dreg:$0x3]  }
0x5: {  	s0 =	rddreg [dreg:$0x4];
	s6 =	simm.s32 $0x0  }
0x6: {  	s3 =	stileid.u32;
	[smem:$0x7FF] =	sst s6  }
0x7: {  	s7 =	sadd.s32 $0x600, s5;
	s8 =	sshll.u32 s3, $0xC;
	_ =	strace $0x80000047  }
0x8: {  	s5 =	sadd.s32 $0x10600, s5;
	s9 =	sadd.s32 s7, s8;
	_ =	strace $0x80000048  }
0x9: {  	[tilespmem:s6], [sflag:$0x1] =	stream.linear.gather [hbm4b:s9+s6], $0x2000, $0x200038;
	[tilespmem:$0x18AA0] =	vst v63  }
0xa: {  	s11 =	simm.s32 $0x8000;
	s19 =	sadd.s32 s5, s8;
	s10 =	sor.u32 $0x400, s8  }
0xb: {  	[tilespmem:s11], [sflag:$0x1] =	stream.linear.gather [hbm4b:s19+s6], $0x2000, $0x200038;
	[tilespmem:$0x18AA0] =	vst v63  }
0xc: {  	s21 =	simm.s32 $0x2000;
	s20 =	sadd.s32 s7, s10  }
0xd: {  	[tilespmem:s21], [sflag:$0x2] =	stream.linear.gather [hbm4b:s20+s6], $0x2000, $0x200038;
	[tilespmem:$0x18AA0] =	vst v63  }
0xe: {  	s24 =	simm.s32 $0xA000;
	s23 =	sor.u32 $0x800, s8;
	s22 =	sadd.s32 s5, s10  }
0xf: {  	[tilespmem:s24], [sflag:$0x2] =	stream.linear.gather [hbm4b:s22+s6], $0x2000, $0x200038;
	[tilespmem:$0x18AA0] =	vst v63  }
0x10: {  	s26 =	simm.s32 $0x4000;
	s25 =	sadd.s32 s7, s23  }
0x11: {  	[tilespmem:s26], [sflag:$0x3] =	stream.linear.gather [hbm4b:s25+s6], $0x2000, $0x200038;
	[tilespmem:$0x18AA0] =	vst v63  }
0x12: {  	s29 =	simm.s32 $0xC000;
	s8 =	sor.u32 $0xC00, s8;
	s28 =	sadd.s32 s5, s23  }
0x13: {  	[tilespmem:s29], [sflag:$0x3] =	stream.linear.gather [hbm4b:s28+s6], $0x2000, $0x200038;
	[tilespmem:$0x18AA0] =	vst v63  }
0x14: {  	s30 =	simm.s32 $0x6000;
	s7 =	sadd.s32 s7, s8  }
0x15: {  	[tilespmem:s30], [sflag:$0x4] =	stream.linear.gather [hbm4b:s7+s6], $0x2000, $0x200038;
	[tilespmem:$0x18AA0] =	vst v63  }
0x16: {  	s31 =	simm.s32 $0xE000;
	s5 =	sadd.s32 s5, s8  }
0x17: {  	v0 =	vlaneseq.u32;
	[tilespmem:s31], [sflag:$0x4] =	stream.linear.gather [hbm4b:s5+s6], $0x2000, $0x200038;
	[tilespmem:$0x18AA0] =	vst v63  }
0x18: {  	v1 =	vor.u32 $0x10, v0;
	_ =	strace $0x90000048;
	[tilespmem:$0x18800] =	vst v0  }
0x19: {  	[tilespmem:$0x18810] =	vst v1;
	v1 =	vor.u32 $0x20, v0  }
0x1a: {  	[tilespmem:$0x18820] =	vst v1;
	v1 =	vor.u32 $0x30, v0  }
0x1b: {  	[tilespmem:$0x18830] =	vst v1;
	v1 =	vor.u32 $0x40, v0  }
0x1c: {  	[tilespmem:$0x18840] =	vst v1;
	v1 =	vor.u32 $0x50, v0  }
0x1d: {  	[tilespmem:$0x18850] =	vst v1;
	v1 =	vor.u32 $0x60, v0  }
0x1e: {  	v0 =	vor.u32 $0x70, v0;
	[tilespmem:$0x18860] =	vst v1  }
0x1f: {  	s5 =	simm.s32 $0x18020;
	[tilespmem:$0x18870] =	vst v0;
	v0 =	vimm.s32 $0x0  }
0x20: {  	[tilespmem:s5+$0xFFFFFFE0] =	vst v0  }
0x21: {  	[tilespmem:s5+$0x10] =	vst v0  }
0x22: {  	s6 =	simm.s32 $0x0;
	[tilespmem:s5+$0x0] =	vst v0  }
.LBB2_1:
0x23: {  	s6 =	sadd.s32 $0x4, s6  }
0x24: {  	[tilespmem:s5+$0xFFFFFFF0] =	vst v0;
	s5 =	sadd.s32 $0x40, s5;
	p0 =	slt.u32 s6, $0x7C  }
.Ltmp0:
0x25: {  	[tilespmem:s5+$0xFFFFFFE0] =	vst v0;
	(pc) =	sbr.rel @p0 .LBB2_1-.Ltmp0, $3  }
0x26: {  	_ =	sdelay $0x1  }
0x27: {  	[tilespmem:s5+$0x10] =	vst v0  }
0x28: {  	[tilespmem:s5+$0x0] =	vst v0  }
0x29: {  	p0 =	sne.s32 s3, $0x0  }
0x2a: {  	[tilespmem:s5+$0xFFFFFFF0] =	vst v0;
	s5 =	simm.s32 @!p0 $0x18000  }
0x2b: {  	[spmem:s4] =	stream.linear.scatter @!p0 [tilespmem:s5], [sflag:$0x5], $0x800, $0x38;
	[tilespmem:$0x18AA0] =	vst v63  }
0x2c: {  	s5 =	simm.s32 @!p0 $0x5  }
0x2d: {  	_ =	swait.ge @!p0 [sflag:s5], $0x800  }
0x2e: {  	[sflag:s5] =	ssyncset.done @!p0 $0x0  }
0x2f: {  	[sflag:s5] =	ssyncadd.s32 @!p0 $0xFFFFF800  }
0x30: {  	[bflag:$0x0] =	sbarrier.arrive $0xFFFF  }
0x31: {  	s29 =	simm.s32 $0x1;
	_ =	strace $0x80000049  }
0x32: {  	_ =	swait.ge [sflag:s29], $0x2000  }
0x33: {  	[sflag:s29] =	ssyncset.done $0x0  }
0x34: {  	[sflag:s29] =	ssyncadd.s32 $0xFFFFE000  }
0x35: {  	_ =	swait.ge [sflag:s29], $0x2000  }
0x36: {  	[sflag:s29] =	ssyncset.done $0x0  }
0x37: {  	s30 =	simm.s32 $0x20;
	[sflag:s29] =	ssyncadd.s32 $0xFFFFE000  }
0x38: {  	s6 =	simm.s32 $0x8020;
	v0 =	vld [tilespmem:s30+$0x10]  }
0x39: {  	v1 =	vld [tilespmem:s6+$0x10];
	_ =	sdelay $0x1  }
0x3a: {  	v2 =	vld [tilespmem:s6+$0xFFFFFFE0]  }
0x3b: {  	v3 =	vld [tilespmem:s30+$0xFFFFFFF0]  }
0x3c: {  	v4 =	vld [tilespmem:s6+$0xFFFFFFF0]  }
0x3d: {  	v5 =	vld [tilespmem:s30+$0xFFFFFFE0];
	v0 =	vsub.f32 v0, v1  }
0x3e: {  	v7 =	vld [tilespmem:s6+$0x0]  }
0x3f: {  	v1 =	vld [tilespmem:s30+$0x0];
	v6 =	vmul.f32 v0, v0;
	_ =	sdelay $0x1  }
0x40: {  	s7 =	simm.s32 $0x8060;
	v8 =	vshrl.u32 v6, $0x14  }
0x41: {  	s8 =	simm.s32 $0x60;
	v9 =	vld [tilespmem:s7+$0x10];
	v2 =	vsub.f32 v5, v2  }
0x42: {  	v3 =	vsub.f32 v3, v4;
	v4 =	vld [tilespmem:s8+$0x10]  }
0x43: {  	s6 =	simm.s32 $0x10020;
	v10 =	vld [tilespmem:s7+$0xFFFFFFF0];
	v2 =	vmul.f32 v2, v2;
	v5 =	vsub.f32 v1, v7  }
0x44: {  	s5 =	simm.s32 $0x18000;
	v0 =	vimm.s32 $0x1;
	v3 =	vmul.f32 v3, v3;
	[tilespmem:s6+$0x10] =	vst v6;
	v1 =	vld [tilespmem:s7+$0xFFFFFFE0]  }
0x45: {  	v11 =	vshrl.u32 v2, $0x14;
	v6 =	vmul.f32 v5, v5;
	[tilespmem:v8+s5+$0x0] =	vst.idx.add.s32.msk $0xffff, v0  }
0x46: {  	[tilespmem:s6+$0xFFFFFFF0] =	vst v3;
	v7 =	vshrl.u32 v3, $0x14;
	v8 =	vld [tilespmem:s8+$0xFFFFFFF0]  }
0x47: {  	[tilespmem:s6+$0xFFFFFFE0] =	vst v2;
	v3 =	vld [tilespmem:s8+$0x0];
	v2 =	vsub.f32 v4, v9;
	v12 =	vshrl.u32 v6, $0x14  }
0x48: {  	v5 =	vld [tilespmem:s7+$0x0]  }
0x49: {  	v2 =	vmul.f32 v2, v2;
	[tilespmem:s6+$0x0] =	vst v6;
	v6 =	vld [tilespmem:s8+$0xFFFFFFE0]  }
0x4a: {  	[tilespmem:v11+s5+$0x0] =	vst.idx.add.s32.msk $0xffff, v0  }
0x4b: {  	s31 =	sshll.u32 s3, $0x4;
	v4 =	vshrl.u32 v2, $0x14;
	[tilespmem:v7+s5+$0x0] =	vst.idx.add.s32.msk $0xffff, v0;
	v7 =	vsub.f32 v8, v10  }
0x4c: {  	s9 =	simm.s32 $0xA0;
	s3 =	sadd.s32 s31, s2;
	s8 =	simm.s32 $0x4;
	[tilespmem:v12+s5+$0x0] =	vst.idx.add.s32.msk $0xffff, v0  }
.LBB2_3:
0x4d: {  	v8 =	vld [tilespmem:s9+$0x10];
	v7 =	vmul.f32 v7, v7;
	v3 =	vsub.f32 v3, v5;
	s7 =	sadd.s32 $0x40, s7  }
0x4e: {  	s8 =	sadd.s32 $0x4, s8;
	s6 =	sadd.s32 $0x40, s6;
	v5 =	vld [tilespmem:s7+$0x10];
	v6 =	vsub.f32 v6, v1  }
0x4f: {  	p1 =	slt.u32 s8, $0x1FC;
	v1 =	vld [tilespmem:s7+$0xFFFFFFE0];
	v9 =	vshrl.u32 v7, $0x14;
	v10 =	vmul.f32 v3, v3;
	[tilespmem:s6+$0x10] =	vst v2  }
0x50: {  	v2 =	vmul.f32 v6, v6;
	[tilespmem:v4+s5+$0x0] =	vst.idx.add.s32.msk $0xffff, v0  }
0x51: {  	v4 =	vld [tilespmem:s9+$0xFFFFFFF0];
	[tilespmem:s6+$0xFFFFFFF0] =	vst v7;
	v11 =	vshrl.u32 v10, $0x14  }
0x52: {  	v7 =	vld [tilespmem:s7+$0xFFFFFFF0];
	[tilespmem:s6+$0xFFFFFFE0] =	vst v2;
	v12 =	vshrl.u32 v2, $0x14  }
0x53: {  	v3 =	vld [tilespmem:s9+$0x0];
	v2 =	vsub.f32 v8, v5;
	[tilespmem:s6+$0x0] =	vst v10  }
.Ltmp1:
0x54: {  	v5 =	vld [tilespmem:s7+$0x0];
	(pc) =	sbr.rel @p1 .LBB2_3-.Ltmp1, $4  }
0x55: {  	v6 =	vld [tilespmem:s9+$0xFFFFFFE0];
	v2 =	vmul.f32 v2, v2  }
0x56: {  	[tilespmem:v9+s5+$0x0] =	vst.idx.add.s32.msk $0xffff, v0  }
0x57: {  	v7 =	vsub.f32 v4, v7;
	v4 =	vshrl.u32 v2, $0x14;
	[tilespmem:v12+s5+$0x0] =	vst.idx.add.s32.msk $0xffff, v0  }
0x58: {  	s9 =	sadd.s32 $0x40, s9;
	[tilespmem:v11+s5+$0x0] =	vst.idx.add.s32.msk $0xffff, v0  }
0x59: {  	v3 =	vsub.f32 v3, v5  }
0x5a: {  	v1 =	vsub.f32 v6, v1;
	v6 =	vmul.f32 v7, v7  }
0x5b: {  	s6 =	sadd.s32 $0x40, s6;
	v3 =	vmul.f32 v3, v3  }
0x5c: {  	[tilespmem:s6+$0x10] =	vst v2;
	v1 =	vmul.f32 v1, v1;
	v5 =	vshrl.u32 v6, $0x14  }
0x5d: {  	[tilespmem:v4+s5+$0x0] =	vst.idx.add.s32.msk $0xffff, v0;
	v4 =	vshrl.u32 v3, $0x14  }
0x5e: {  	[tilespmem:s6+$0xFFFFFFF0] =	vst v6;
	v2 =	vshrl.u32 v1, $0x14  }
0x5f: {  	[tilespmem:s6+$0x0] =	vst v3  }
0x60: {  	[tilespmem:s6+$0xFFFFFFE0] =	vst v1  }
0x61: {  	[tilespmem:v5+s5+$0x0] =	vst.idx.add.s32.msk $0xffff, v0  }
0x62: {  	[tilespmem:v4+s5+$0x0] =	vst.idx.add.s32.msk $0xffff, v0  }
0x63: {  	s28 =	simm.s32 $0x2;
	[tilespmem:v2+s5+$0x0] =	vst.idx.add.s32.msk $0xffff, v0  }
0x64: {  	_ =	swait.ge [sflag:s28], $0x2000  }
0x65: {  	[sflag:s28] =	ssyncset.done $0x0  }
0x66: {  	[sflag:s28] =	ssyncadd.s32 $0xFFFFE000  }
0x67: {  	s29 =	simm.s32 $0x2000;
	_ =	swait.ge [sflag:s28], $0x2000  }
0x68: {  	s6 =	sand.u32 $0x3FFFE000, s29;
	[sflag:s28] =	ssyncset.done $0x0  }
0x69: {  	s30 =	sadd.s32 $0x0, s6;
	[sflag:s28] =	ssyncadd.s32 $0xFFFFE000  }
0x6a: {  	v0 =	vld [tilespmem:s30+$0x30]  }
0x6b: {  	s7 =	simm.s32 $0x0;
	v1 =	vld [tilespmem:s30+$0x8030]  }
0x6c: {  	v2 =	vld [tilespmem:s7+$0x2000]  }
0x6d: {  	v3 =	vld [tilespmem:s30+$0x10]  }
0x6e: {  	v4 =	vld [tilespmem:s30+$0x8010]  }
0x6f: {  	v5 =	vld [tilespmem:s7+$0xA000]  }
0x70: {  	v7 =	vld [tilespmem:s30+$0x20]  }
0x71: {  	s31 =	simm.s32 $0x2040;
	v8 =	vld [tilespmem:s30+$0x8020]  }
0x72: {  	s6 =	sand.u32 $0x3FFFE000, s31  }
0x73: {  	s8 =	sadd.s32 $0x40, s6;
	v0 =	vsub.f32 v0, v1  }
0x74: {  	v10 =	vld [tilespmem:s8+$0x8030];
	v2 =	vsub.f32 v2, v5  }
0x75: {  	v6 =	vmul.f32 v0, v0;
	v0 =	vsub.f32 v3, v4;
	v4 =	vld [tilespmem:s8+$0x30]  }
0x76: {  	s5 =	simm.s32 $0x40;
	v11 =	vld [tilespmem:s8+$0x10];
	v5 =	vsub.f32 v7, v8;
	v2 =	vmul.f32 v2, v2  }
0x77: {  	v1 =	vld [tilespmem:s5+$0x2000];
	v9 =	vshrl.u32 v6, $0x14;
	v3 =	vmul.f32 v0, v0  }
0x78: {  	v8 =	vld [tilespmem:s8+$0x8010];
	v12 =	vmul.f32 v5, v5;
	[tilespmem:s7+$0x12030] =	vst v6;
	v63 =	vshrl.u32 v2, $0x14  }
0x79: {  	v5 =	vld [tilespmem:s8+$0x8020];
	[tilespmem:s7+$0x12000] =	vst v2;
	v7 =	vshrl.u32 v3, $0x14  }
0x7a: {  	[tilespmem:s7+$0x12020] =	vst v12;
	v6 =	vld [tilespmem:s5+$0xA000];
	v2 =	vsub.f32 v4, v10;
	v4 =	vshrl.u32 v12, $0x14  }
0x7b: {  	s6 =	simm.s32 $0x18000;
	v0 =	vimm.s32 $0x1;
	[tilespmem:s7+$0x12010] =	vst v3;
	v3 =	vld [tilespmem:s8+$0x20]  }
0x7c: {  	[tilespmem:v9+s6+$0x0] =	vst.idx.add.s32.msk $0xffff, v0  }
0x7d: {  	v2 =	vmul.f32 v2, v2;
	[tilespmem:v63+s6+$0x0] =	vst.idx.add.s32.msk $0xffff, v0  }
0x7e: {  	s9 =	simm.s32 $0x200;
	s7 =	simm.s32 $0x204;
	s8 =	simm.s32 $0x2080;
	[tilespmem:v7+s6+$0x0] =	vst.idx.add.s32.msk $0xffff, v0;
	v7 =	vsub.f32 v11, v8  }
.LBB2_5:
0x7f: {  	s10 =	sand.u32 $0x3FFFE000, s8;
	s11 =	sshra.s32 s9, $0x2;
	v8 =	vshrl.u32 v2, $0x14;
	[tilespmem:v4+s6+$0x0] =	vst.idx.add.s32.msk $0xffff, v0  }
0x80: {  	s7 =	sadd.s32 $0x4, s7;
	v9 =	vld [tilespmem:s11+$0x2000];
	s10 =	sadd.s32 s11, s10;
	v4 =	vmul.f32 v7, v7;
	v3 =	vsub.f32 v3, v5  }
0x81: {  	p1 =	slt.u32 s7, $0x3FC;
	v7 =	vld [tilespmem:s10+$0x30];
	v1 =	vsub.f32 v1, v6  }
0x82: {  	v6 =	vld [tilespmem:s10+$0x8030];
	[tilespmem:s5+$0x12010] =	vst v4;
	v10 =	vshrl.u32 v4, $0x14;
	v3 =	vmul.f32 v3, v3  }
0x83: {  	v11 =	vld [tilespmem:s10+$0x10];
	v5 =	vmul.f32 v1, v1;
	[tilespmem:s5+$0x12030] =	vst v2  }
0x84: {  	v4 =	vshrl.u32 v3, $0x14;
	[tilespmem:v8+s6+$0x0] =	vst.idx.add.s32.msk $0xffff, v0  }
0x85: {  	v8 =	vld [tilespmem:s10+$0x8010];
	v12 =	vshrl.u32 v5, $0x14;
	[tilespmem:s5+$0x12020] =	vst v3;
	v1 =	vmov v9  }
.Ltmp2:
0x86: {  	v3 =	vld [tilespmem:s10+$0x20];
	[tilespmem:s5+$0x12000] =	vst v5;
	s5 =	smov.u32 s11;
	(pc) =	sbr.rel @p1 .LBB2_5-.Ltmp2, $4  }
0x87: {  	v5 =	vld [tilespmem:s10+$0x8020];
	v2 =	vsub.f32 v7, v6  }
0x88: {  	v6 =	vld [tilespmem:s5+$0xA000]  }
0x89: {  	v2 =	vmul.f32 v2, v2;
	[tilespmem:v10+s6+$0x0] =	vst.idx.add.s32.msk $0xffff, v0  }
0x8a: {  	s8 =	sadd.s32 $0x40, s8;
	s9 =	sadd.s32 $0x100, s9;
	v7 =	vsub.f32 v11, v8;
	[tilespmem:v12+s6+$0x0] =	vst.idx.add.s32.msk $0xffff, v0  }
0x8b: {  	_ =	sdelay $0x1  }
0x8c: {  	v8 =	vshrl.u32 v2, $0x14;
	v3 =	vsub.f32 v3, v5  }
0x8d: {  	v1 =	vsub.f32 v1, v6;
	v6 =	vmul.f32 v7, v7  }
0x8e: {  	[tilespmem:v4+s6+$0x0] =	vst.idx.add.s32.msk $0xffff, v0;
	v3 =	vmul.f32 v3, v3  }
0x8f: {  	[tilespmem:s5+$0x12030] =	vst v2;
	v1 =	vmul.f32 v1, v1;
	v4 =	vshrl.u32 v6, $0x14  }
0x90: {  	[tilespmem:s5+$0x12010] =	vst v6;
	v5 =	vshrl.u32 v3, $0x14  }
0x91: {  	[tilespmem:v8+s6+$0x0] =	vst.idx.add.s32.msk $0xffff, v0;
	v2 =	vshrl.u32 v1, $0x14  }
0x92: {  	[tilespmem:s5+$0x12020] =	vst v3  }
0x93: {  	[tilespmem:s5+$0x12000] =	vst v1  }
0x94: {  	[tilespmem:v4+s6+$0x0] =	vst.idx.add.s32.msk $0xffff, v0  }
0x95: {  	[tilespmem:v5+s6+$0x0] =	vst.idx.add.s32.msk $0xffff, v0  }
0x96: {  	s28 =	simm.s32 $0x3;
	[tilespmem:v2+s6+$0x0] =	vst.idx.add.s32.msk $0xffff, v0  }
0x97: {  	_ =	swait.ge [sflag:s28], $0x2000  }
0x98: {  	[sflag:s28] =	ssyncset.done $0x0  }
0x99: {  	[sflag:s28] =	ssyncadd.s32 $0xFFFFE000  }
0x9a: {  	s29 =	simm.s32 $0x4000;
	_ =	swait.ge [sflag:s28], $0x2000  }
0x9b: {  	s6 =	sand.u32 $0x3FFFE000, s29;
	[sflag:s28] =	ssyncset.done $0x0  }
0x9c: {  	s30 =	sadd.s32 $0x0, s6;
	[sflag:s28] =	ssyncadd.s32 $0xFFFFE000  }
0x9d: {  	v0 =	vld [tilespmem:s30+$0x30]  }
0x9e: {  	s7 =	simm.s32 $0x0;
	v1 =	vld [tilespmem:s30+$0x8030]  }
0x9f: {  	v2 =	vld [tilespmem:s7+$0x4000]  }
0xa0: {  	v3 =	vld [tilespmem:s30+$0x10]  }
0xa1: {  	v4 =	vld [tilespmem:s30+$0x8010]  }
0xa2: {  	v5 =	vld [tilespmem:s7+$0xC000]  }
0xa3: {  	v7 =	vld [tilespmem:s30+$0x20]  }
0xa4: {  	s31 =	simm.s32 $0x4040;
	v8 =	vld [tilespmem:s30+$0x8020]  }
0xa5: {  	s6 =	sand.u32 $0x3FFFE000, s31  }
0xa6: {  	s8 =	sadd.s32 $0x40, s6;
	v0 =	vsub.f32 v0, v1  }
0xa7: {  	v10 =	vld [tilespmem:s8+$0x8030];
	v2 =	vsub.f32 v2, v5  }
0xa8: {  	v6 =	vmul.f32 v0, v0;
	v0 =	vsub.f32 v3, v4;
	v4 =	vld [tilespmem:s8+$0x30]  }
0xa9: {  	s5 =	simm.s32 $0x40;
	v11 =	vld [tilespmem:s8+$0x10];
	v5 =	vsub.f32 v7, v8;
	v2 =	vmul.f32 v2, v2  }
0xaa: {  	v1 =	vld [tilespmem:s5+$0x4000];
	v9 =	vshrl.u32 v6, $0x14;
	v3 =	vmul.f32 v0, v0  }
0xab: {  	v8 =	vld [tilespmem:s8+$0x8010];
	v12 =	vmul.f32 v5, v5;
	[tilespmem:s7+$0x14030] =	vst v6;
	v63 =	vshrl.u32 v2, $0x14  }
0xac: {  	v5 =	vld [tilespmem:s8+$0x8020];
	[tilespmem:s7+$0x14000] =	vst v2;
	v7 =	vshrl.u32 v3, $0x14  }
0xad: {  	[tilespmem:s7+$0x14020] =	vst v12;
	v6 =	vld [tilespmem:s5+$0xC000];
	v2 =	vsub.f32 v4, v10;
	v4 =	vshrl.u32 v12, $0x14  }
0xae: {  	s6 =	simm.s32 $0x18000;
	v0 =	vimm.s32 $0x1;
	[tilespmem:s7+$0x14010] =	vst v3;
	v3 =	vld [tilespmem:s8+$0x20]  }
0xaf: {  	[tilespmem:v9+s6+$0x0] =	vst.idx.add.s32.msk $0xffff, v0  }
0xb0: {  	v2 =	vmul.f32 v2, v2;
	[tilespmem:v63+s6+$0x0] =	vst.idx.add.s32.msk $0xffff, v0  }
0xb1: {  	s9 =	simm.s32 $0x4080;
	s7 =	simm.s32 $0x404;
	s8 =	simm.s32 $0x200;
	[tilespmem:v7+s6+$0x0] =	vst.idx.add.s32.msk $0xffff, v0;
	v7 =	vsub.f32 v11, v8  }
.LBB2_7:
0xb2: {  	s10 =	sand.u32 $0x3FFFE000, s9;
	s11 =	sshra.s32 s8, $0x2;
	v8 =	vshrl.u32 v2, $0x14;
	[tilespmem:v4+s6+$0x0] =	vst.idx.add.s32.msk $0xffff, v0  }
0xb3: {  	s7 =	sadd.s32 $0x4, s7;
	v9 =	vld [tilespmem:s11+$0x4000];
	s10 =	sadd.s32 s11, s10;
	v4 =	vmul.f32 v7, v7;
	v3 =	vsub.f32 v3, v5  }
0xb4: {  	p1 =	slt.u32 s7, $0x5FC;
	v7 =	vld [tilespmem:s10+$0x30];
	v1 =	vsub.f32 v1, v6  }
0xb5: {  	v6 =	vld [tilespmem:s10+$0x8030];
	[tilespmem:s5+$0x14010] =	vst v4;
	v10 =	vshrl.u32 v4, $0x14;
	v3 =	vmul.f32 v3, v3  }
0xb6: {  	v11 =	vld [tilespmem:s10+$0x10];
	v5 =	vmul.f32 v1, v1;
	[tilespmem:s5+$0x14030] =	vst v2  }
0xb7: {  	v4 =	vshrl.u32 v3, $0x14;
	[tilespmem:v8+s6+$0x0] =	vst.idx.add.s32.msk $0xffff, v0  }
0xb8: {  	v8 =	vld [tilespmem:s10+$0x8010];
	v12 =	vshrl.u32 v5, $0x14;
	[tilespmem:s5+$0x14020] =	vst v3;
	v1 =	vmov v9  }
.Ltmp3:
0xb9: {  	v3 =	vld [tilespmem:s10+$0x20];
	[tilespmem:s5+$0x14000] =	vst v5;
	s5 =	smov.u32 s11;
	(pc) =	sbr.rel @p1 .LBB2_7-.Ltmp3, $4  }
0xba: {  	v5 =	vld [tilespmem:s10+$0x8020];
	v2 =	vsub.f32 v7, v6  }
0xbb: {  	v6 =	vld [tilespmem:s5+$0xC000]  }
0xbc: {  	v2 =	vmul.f32 v2, v2;
	[tilespmem:v10+s6+$0x0] =	vst.idx.add.s32.msk $0xffff, v0  }
0xbd: {  	s8 =	sadd.s32 $0x100, s8;
	s9 =	sadd.s32 $0x40, s9;
	v7 =	vsub.f32 v11, v8;
	[tilespmem:v12+s6+$0x0] =	vst.idx.add.s32.msk $0xffff, v0  }
0xbe: {  	_ =	sdelay $0x1  }
0xbf: {  	v8 =	vshrl.u32 v2, $0x14;
	v3 =	vsub.f32 v3, v5  }
0xc0: {  	v1 =	vsub.f32 v1, v6;
	v6 =	vmul.f32 v7, v7  }
0xc1: {  	[tilespmem:v4+s6+$0x0] =	vst.idx.add.s32.msk $0xffff, v0;
	v3 =	vmul.f32 v3, v3  }
0xc2: {  	[tilespmem:s5+$0x14030] =	vst v2;
	v1 =	vmul.f32 v1, v1;
	v4 =	vshrl.u32 v6, $0x14  }
0xc3: {  	[tilespmem:s5+$0x14010] =	vst v6;
	v5 =	vshrl.u32 v3, $0x14  }
0xc4: {  	[tilespmem:v8+s6+$0x0] =	vst.idx.add.s32.msk $0xffff, v0;
	v2 =	vshrl.u32 v1, $0x14  }
0xc5: {  	[tilespmem:s5+$0x14020] =	vst v3  }
0xc6: {  	[tilespmem:s5+$0x14000] =	vst v1  }
0xc7: {  	[tilespmem:v4+s6+$0x0] =	vst.idx.add.s32.msk $0xffff, v0  }
0xc8: {  	[tilespmem:v5+s6+$0x0] =	vst.idx.add.s32.msk $0xffff, v0  }
0xc9: {  	s28 =	simm.s32 $0x4;
	[tilespmem:v2+s6+$0x0] =	vst.idx.add.s32.msk $0xffff, v0  }
0xca: {  	_ =	swait.ge [sflag:s28], $0x2000  }
0xcb: {  	[sflag:s28] =	ssyncset.done $0x0  }
0xcc: {  	[sflag:s28] =	ssyncadd.s32 $0xFFFFE000  }
0xcd: {  	s29 =	simm.s32 $0x6000;
	_ =	swait.ge [sflag:s28], $0x2000  }
0xce: {  	s6 =	sand.u32 $0x3FFFE000, s29;
	[sflag:s28] =	ssyncset.done $0x0  }
0xcf: {  	s30 =	sadd.s32 $0x0, s6;
	[sflag:s28] =	ssyncadd.s32 $0xFFFFE000  }
0xd0: {  	v0 =	vld [tilespmem:s30+$0x30]  }
0xd1: {  	s7 =	simm.s32 $0x0;
	v1 =	vld [tilespmem:s30+$0x8030]  }
0xd2: {  	v2 =	vld [tilespmem:s7+$0x6000]  }
0xd3: {  	v3 =	vld [tilespmem:s30+$0x10]  }
0xd4: {  	v4 =	vld [tilespmem:s30+$0x8010]  }
0xd5: {  	v5 =	vld [tilespmem:s7+$0xE000]  }
0xd6: {  	v7 =	vld [tilespmem:s30+$0x20]  }
0xd7: {  	s31 =	simm.s32 $0x6040;
	v8 =	vld [tilespmem:s30+$0x8020]  }
0xd8: {  	s6 =	sand.u32 $0x3FFFE000, s31  }
0xd9: {  	s8 =	sadd.s32 $0x40, s6;
	v0 =	vsub.f32 v0, v1  }
0xda: {  	v10 =	vld [tilespmem:s8+$0x8030];
	v2 =	vsub.f32 v2, v5  }
0xdb: {  	v6 =	vmul.f32 v0, v0;
	v0 =	vsub.f32 v3, v4;
	v4 =	vld [tilespmem:s8+$0x30]  }
0xdc: {  	s5 =	simm.s32 $0x40;
	v11 =	vld [tilespmem:s8+$0x10];
	v5 =	vsub.f32 v7, v8;
	v2 =	vmul.f32 v2, v2  }
0xdd: {  	v1 =	vld [tilespmem:s5+$0x6000];
	v9 =	vshrl.u32 v6, $0x14;
	v3 =	vmul.f32 v0, v0  }
0xde: {  	v8 =	vld [tilespmem:s8+$0x8010];
	v12 =	vmul.f32 v5, v5;
	[tilespmem:s7+$0x16030] =	vst v6;
	v63 =	vshrl.u32 v2, $0x14  }
0xdf: {  	v5 =	vld [tilespmem:s8+$0x8020];
	[tilespmem:s7+$0x16000] =	vst v2;
	v7 =	vshrl.u32 v3, $0x14  }
0xe0: {  	[tilespmem:s7+$0x16020] =	vst v12;
	v6 =	vld [tilespmem:s5+$0xE000];
	v2 =	vsub.f32 v4, v10;
	v4 =	vshrl.u32 v12, $0x14  }
0xe1: {  	s6 =	simm.s32 $0x18000;
	v0 =	vimm.s32 $0x1;
	[tilespmem:s7+$0x16010] =	vst v3;
	v3 =	vld [tilespmem:s8+$0x20]  }
0xe2: {  	[tilespmem:v9+s6+$0x0] =	vst.idx.add.s32.msk $0xffff, v0  }
0xe3: {  	v2 =	vmul.f32 v2, v2;
	[tilespmem:v63+s6+$0x0] =	vst.idx.add.s32.msk $0xffff, v0  }
0xe4: {  	s9 =	simm.s32 $0x6080;
	s7 =	simm.s32 $0x604;
	s8 =	simm.s32 $0x200;
	[tilespmem:v7+s6+$0x0] =	vst.idx.add.s32.msk $0xffff, v0;
	v7 =	vsub.f32 v11, v8  }
.LBB2_9:
0xe5: {  	s10 =	sand.u32 $0x3FFFE000, s9;
	s11 =	sshra.s32 s8, $0x2;
	v8 =	vshrl.u32 v2, $0x14;
	[tilespmem:v4+s6+$0x0] =	vst.idx.add.s32.msk $0xffff, v0  }
0xe6: {  	s7 =	sadd.s32 $0x4, s7;
	v9 =	vld [tilespmem:s11+$0x6000];
	s10 =	sadd.s32 s11, s10;
	v4 =	vmul.f32 v7, v7;
	v3 =	vsub.f32 v3, v5  }
0xe7: {  	p1 =	slt.u32 s7, $0x7FC;
	v7 =	vld [tilespmem:s10+$0x30];
	v1 =	vsub.f32 v1, v6  }
0xe8: {  	v6 =	vld [tilespmem:s10+$0x8030];
	[tilespmem:s5+$0x16010] =	vst v4;
	v10 =	vshrl.u32 v4, $0x14;
	v3 =	vmul.f32 v3, v3  }
0xe9: {  	v11 =	vld [tilespmem:s10+$0x10];
	v5 =	vmul.f32 v1, v1;
	[tilespmem:s5+$0x16030] =	vst v2  }
0xea: {  	v4 =	vshrl.u32 v3, $0x14;
	[tilespmem:v8+s6+$0x0] =	vst.idx.add.s32.msk $0xffff, v0  }
0xeb: {  	v8 =	vld [tilespmem:s10+$0x8010];
	v12 =	vshrl.u32 v5, $0x14;
	[tilespmem:s5+$0x16020] =	vst v3;
	v1 =	vmov v9  }
.Ltmp4:
0xec: {  	v3 =	vld [tilespmem:s10+$0x20];
	[tilespmem:s5+$0x16000] =	vst v5;
	s5 =	smov.u32 s11;
	(pc) =	sbr.rel @p1 .LBB2_9-.Ltmp4, $4  }
0xed: {  	v5 =	vld [tilespmem:s10+$0x8020];
	v2 =	vsub.f32 v7, v6  }
0xee: {  	v6 =	vld [tilespmem:s5+$0xE000]  }
0xef: {  	v2 =	vmul.f32 v2, v2;
	[tilespmem:v10+s6+$0x0] =	vst.idx.add.s32.msk $0xffff, v0  }
0xf0: {  	s8 =	sadd.s32 $0x100, s8;
	s9 =	sadd.s32 $0x40, s9;
	v7 =	vsub.f32 v11, v8;
	[tilespmem:v12+s6+$0x0] =	vst.idx.add.s32.msk $0xffff, v0  }
0xf1: {  	_ =	sdelay $0x1  }
0xf2: {  	v8 =	vshrl.u32 v2, $0x14;
	v3 =	vsub.f32 v3, v5  }
0xf3: {  	v1 =	vsub.f32 v1, v6;
	v6 =	vmul.f32 v7, v7  }
0xf4: {  	[tilespmem:v4+s6+$0x0] =	vst.idx.add.s32.msk $0xffff, v0;
	v3 =	vmul.f32 v3, v3  }
0xf5: {  	[tilespmem:s5+$0x16030] =	vst v2;
	v1 =	vmul.f32 v1, v1;
	v4 =	vshrl.u32 v6, $0x14  }
0xf6: {  	[tilespmem:s5+$0x16010] =	vst v6;
	v5 =	vshrl.u32 v3, $0x14  }
0xf7: {  	[tilespmem:v8+s6+$0x0] =	vst.idx.add.s32.msk $0xffff, v0;
	v2 =	vshrl.u32 v1, $0x14  }
0xf8: {  	[tilespmem:s5+$0x16020] =	vst v3  }
0xf9: {  	[tilespmem:s5+$0x16000] =	vst v1  }
0xfa: {  	[tilespmem:v4+s6+$0x0] =	vst.idx.add.s32.msk $0xffff, v0  }
0xfb: {  	[tilespmem:v5+s6+$0x0] =	vst.idx.add.s32.msk $0xffff, v0  }
0xfc: {  	[tilespmem:v2+s6+$0x0] =	vst.idx.add.s32.msk $0xffff, v0  }
0xfd: {  	s25 =	simm.s32 $0x80;
	s26 =	simm.s32 $0x18800;
	_ =	strace $0x90000049  }
0xfe: {  	s7 =	simm.s32 $0x18000;
	s28 =	simm.s32 $0x5;
	_ =	strace $0x8000004A  }
0xff: {  	[spmem:s4] =	stream.indirect.scatter.add.s32 [tilespmem:s7], [sflag:$0x5], $0x10, s26, s25, $0x2000b8;
	[tilespmem:$0x18AA0] =	vst v63  }
0x100: {  	_ =	swait.ge [sflag:s28], $0x800  }
0x101: {  	[sflag:s28] =	ssyncset.done $0x0  }
0x102: {  	[sflag:s28] =	ssyncadd.s32 $0xFFFFF800  }
0x103: {  	[bflag:$0x0] =	sbarrier.arrive $0xFFFF  }
0x104: {  	[tilespmem:s7], [sflag:$0x5] =	stream.linear.gather [spmem:s4], $0x800, $0x200038;
	[tilespmem:$0x18AA0] =	vst v63  }
0x105: {  	_ =	swait.ge [sflag:s28], $0x800  }
0x106: {  	[sflag:s28] =	ssyncset.done $0x0  }
0x107: {  	[sflag:s28] =	ssyncadd.s32 $0xFFFFF800  }
0x108: {  	[bflag:$0x0] =	sbarrier.arrive $0xFFFF  }
0x109: {  	v0 =	vimm.s32 $0x0;
	_ =	strace $0x9000004A  }
0x10a: {  	_ =	strace $0x8000004B;
	[tilespmem:$0x18990] =	vst v0  }
0x10b: {  	[tilespmem:$0x189A0] =	vst v0  }
0x10c: {  	[tilespmem:$0x189B0] =	vst v0  }
0x10d: {  	[tilespmem:$0x189C0] =	vst v0  }
0x10e: {  	[tilespmem:$0x189D0] =	vst v0  }
0x10f: {  	[tilespmem:$0x189E0] =	vst v0  }
0x110: {  	[tilespmem:$0x189F0] =	vst v0  }
0x111: {  	s29 =	simm.s32 $0x18020;
	[tilespmem:$0x18A00] =	vst v0  }
0x112: {  	v0 =	vld [tilespmem:s29+$0x10]  }
0x113: {  	v1 =	vld [tilespmem:s29+$0xFFFFFFE0]  }
0x114: {  	s30 =	simm.s32 $0x3  }
0x115: {  	s5 =	simm.s32 $0x0;
	v2 =	vmov s30;
	v4 =	vld [tilespmem:s29+$0x0]  }
0x116: {  	v3 =	vmov s5;
	s9 =	sand.u32 $0xFFFFFFF0, s5;
	v2 =	vand.u32 $0xF, v2  }
0x117: {  	vm0 =	vcmask $0x3F3C;
	s8 =	simm.s32 $0x2;
	v3 =	vand.u32 $0xC, v3;
	v2 =	vor.u32 s9, v2;
	(xrf0) =	vadd.scan.msk.s32 $0xffff, v0  }
0x118: {  	s10 =	simm.s32 $0x1;
	s6 =	simm.s32 $0x4;
	v9 =	vbroadcast v2, $0x0;
	v0 =	vor.u32 s9, v3;
	v3 =	vld [tilespmem:s29+$0xFFFFFFF0];
	(xrf0) =	vadd.scan.msk.s32 $0xffff, v1;
	v1 =	vmov s8  }
0x119: {  	v7 =	vmov s10;
	v2 =	vmov s6;
	s8 =	simm.s32 $0x18060;
	v5 =	vand.u32 $0xE, v1  }
0x11a: {  	v2 =	vand.u32 $0xC, v2;
	s7 =	sand.u32 $0xFFFFFFF0, s6;
	v0 =	vbroadcast v0, $0x0;
	v1 =	vld [tilespmem:s8+$0x0];
	(xrf0) =	vadd.scan.msk.s32 $0xffff, v4;
	v5 =	vor.u32 s9, v5  }
0x11b: {  	s31 =	simm.s32 $0x7;
	v7 =	vand.u32 $0xD, v7;
	v8 =	vor.u32 s7, v2;
	v6 =	vld [tilespmem:s8+$0x10];
	v2 =	vbroadcast v5, $0x0  }
0x11c: {  	s11 =	simm.s32 $0x6;
	v7 =	vor.u32 s9, v7;
	v4 =	vmov s31;
	v5 =	vld [tilespmem:s8+$0xFFFFFFE0]  }
0x11d: {  	v10 =	vmov s11;
	v11 =	vand.u32 $0xF, v4;
	s9 =	simm.s32 $0x18990;
	v4 =	vbroadcast v7, $0x0;
	(xrf0) =	vadd.scan.msk.s32 $0xffff, v3;
	v3 =	vld [tilespmem:s8+$0xFFFFFFF0];
	v12, _, _ =	vpop (xrf0)  }
0x11e: {  	s10 =	simm.s32 $0x8;
	v7 =	vbroadcast v8, $0x0;
	v8 =	vand.u32 $0xE, v10;
	v10 =	vor.u32 s7, v11;
	[tilespmem:v9+s9+$0x0] =	vst.idx.add.s32.msk vm0, v12;
	v9, _, _ =	vpop (xrf0)  }
.LBB2_11:
0x11f: {  	p1 =	slt.u32 s10, $0x7C  }
0x120: {  	v11 =	vmov s10;
	v12 =	vbroadcast v10, $0x0;
	s8 =	sadd.s32 $0x40, s8;
	(xrf0) =	vadd.scan.msk.s32 $0xffff, v6;
	[tilespmem:v0+s9+$0x0] =	vst.idx.add.s32.msk vm0, v9;
	v0, _, _ =	vpop (xrf0);
	s11 =	smov.u32 s10;
	s10 =	sadd.s32 $0x4, s10  }
0x121: {  	v8 =	vor.u32 s7, v8;
	s12 =	sand.u32 $0xFFFFFFF0, s11;
	v6 =	vand.u32 $0xC, v11;
	(xrf0) =	vadd.scan.msk.s32 $0xffff, v5;
	[tilespmem:v2+s9+$0x0] =	vst.idx.add.s32.msk vm0, v0;
	v0 =	vmovc v7  }
0x122: {  	s13 =	sadd.s32 $0x1, s6;
	v2 =	vbroadcast v8, $0x0;
	s6 =	smov.u32 s11;
	v7 =	vor.u32 s12, v6;
	(xrf0) =	vadd.scan.msk.s32 $0xffff, v1;
	v1 =	vld [tilespmem:s8+$0x0]  }
.Ltmp5:
0x123: {  	v8 =	vmov s13;
	v6 =	vld [tilespmem:s8+$0x10];
	v9, _, _ =	vpop (xrf0);
	(pc) =	sbr.rel @p1 .LBB2_11-.Ltmp5, $4  }
0x124: {  	s11 =	sadd.s32 $0x3, s6;
	v8 =	vand.u32 $0xD, v8;
	v5 =	vld [tilespmem:s8+$0xFFFFFFE0]  }
0x125: {  	s13 =	sadd.s32 $0x2, s6;
	v10 =	vmov s11;
	v8 =	vor.u32 s7, v8;
	s7 =	smov.u32 s12;
	(xrf0) =	vadd.scan.msk.s32 $0xffff, v3;
	[tilespmem:v4+s9+$0x0] =	vst.idx.add.s32.msk vm0, v9  }
0x126: {  	v13 =	vmov s13;
	v10 =	vand.u32 $0xF, v10;
	v4 =	vbroadcast v8, $0x0;
	v3 =	vld [tilespmem:s8+$0xFFFFFFF0];
	v11, _, _ =	vpop (xrf0)  }
0x127: {  	v7 =	vbroadcast v7, $0x0;
	v8 =	vand.u32 $0xE, v13;
	v10 =	vor.u32 s7, v10;
	[tilespmem:v12+s9+$0x0] =	vst.idx.add.s32.msk vm0, v11;
	v9, _, _ =	vpop (xrf0)  }
0x128: {  	(xrf0) =	vadd.scan.msk.s32 $0xffff, v6;
	s6 =	sadd.s32 $0x1, s6  }
0x129: {  	(xrf0) =	vadd.scan.msk.s32 $0xffff, v5;
	v62 =	vmov s6  }
0x12a: {  	v61 =	vbroadcast v10, $0x0;
	(xrf0) =	vadd.scan.msk.s32 $0xffff, v1;
	v1 =	vand.u32 $0xD, v62  }
0x12b: {  	v8 =	vor.u32 s7, v8;
	v1 =	vor.u32 s7, v1  }
0x12c: {  	v63 =	vbroadcast v8, $0x0;
	(xrf0) =	vadd.scan.msk.s32 $0xffff, v3  }
0x12d: {  	[tilespmem:v0+s9+$0x0] =	vst.idx.add.s32.msk vm0, v9;
	v3, _, _ =	vpop (xrf0);
	v0 =	vbroadcast v1, $0x0  }
0x12e: {  	[tilespmem:v2+s9+$0x0] =	vst.idx.add.s32.msk vm0, v3;
	v1, _, _ =	vpop (xrf0)  }
0x12f: {  	s31 =	simm.s32 $0x18990;
	[tilespmem:v4+s9+$0x0] =	vst.idx.add.s32.msk vm0, v1;
	v1, _, _ =	vpop (xrf0)  }
0x130: {  	[tilespmem:v61+s31+$0x0] =	vst.idx.add.s32.msk vm0, v1;
	v1, _, _ =	vpop (xrf0)  }
0x131: {  	[tilespmem:v7+s31+$0x0] =	vst.idx.add.s32.msk vm0, v1;
	v1, _, _ =	vpop (xrf0)  }
0x132: {  	[tilespmem:v63+s31+$0x0] =	vst.idx.add.s32.msk vm0, v1;
	v1, _, _ =	vpop (xrf0)  }
0x133: {  	[tilespmem:v0+s31+$0x0] =	vst.idx.add.s32.msk vm0, v1  }
0x134: {  	v1 =	vld [tilespmem:s31+$0x0];
	_ =	sdelay $0x4  }
0x135: {  	(xrf0) =	vadd.scan.msk.s32 $0xffff, v1;
	_ =	sdelay $0x5  }
0x136: {  	p1 =	por $0x0, $0x0;
	vm1 =	vmxor vm1, vm1;
	v0, _, _ =	vpop (xrf0)  }
0x137: {  	p2 =	por !p1, !p1;
	vm2 =	vmmov vm1;
	v2 =	vadd.s32 s5, v0  }
0x138: {  	vm2 =	vmneg @p2 vm2;
	v0 =	vimm.s32 $0x0;
	vm3 =	vlt.s32 v2, $0x20000  }
0x139: {  	vm2 =	vmand vm2, vm3;
	v2 =	vsel vm3, $0x1, v0  }
0x13a: {  	v1 =	vnsel vm2, $0x0, v1;
	(xrf0) =	vadd.scan.msk.s32 $0xffff, v2  }
0x13b: {  	(xrf0) =	vadd.scan.msk.s32 $0xffff, v1;
	_ =	sdelay $0x4  }
0x13c: {  	v1, _, _ =	vpop (xrf0)  }
0x13d: {  	v2, _, _ =	vpop (xrf0);
	(v2sf) =	vpush v1, $0xF  }
0x13e: {  	(v2sf) =	vpush v2, $0xF;
	_ =	sdelay $0x2  }
0x13f: {  	s10 =	simm.s32 $0x189A0;
	s8 =	simm.s32 $0x0  }
0x140: {  	s6 =	simm.s32 $0x10;
	s7 =	simm.s32 $0x0;
	s9 =	simm.s32 $0x20  }
.LBB2_13:
0x141: {  	p2 =	sne.s32 s9, $0x70;
	v1 =	vld [tilespmem:s10+$0x0];
	_ =	sdelay $0x4  }
0x142: {  	(xrf0) =	vadd.scan.msk.s32 $0xffff, v1;
	_ =	sdelay $0x3  }
0x143: {  	s11 =	spop (v2sf)  }
0x144: {  	p3 =	slt.s32 s11, $0x10;
	s7 =	sadd.s32 s7, s11;
	s11 =	spop (v2sf)  }
0x145: {  	v2, _, _ =	vpop (xrf0);
	s7 =	smov.u32 @p1 s5;
	s8 =	sadd.s32 s8, s11;
	p1 =	por p1, p3  }
0x146: {  	vm3 =	vmmov vm1;
	v2 =	vadd.s32 s8, v2;
	p4 =	por !p1, !p1;
	s5 =	smov.u32 @p3 s7;
	s7 =	smov.u32 s6  }
0x147: {  	s6 =	smov.u32 s9;
	vm2 =	vlt.s32 v2, $0x20000;
	vm3 =	vmneg @p4 vm3  }
0x148: {  	vm3 =	vmand vm3, vm2;
	v2 =	vsel vm2, $0x1, v0  }
0x149: {  	v1 =	vnsel vm3, $0x0, v1;
	(xrf0) =	vadd.scan.msk.s32 $0xffff, v2  }
0x14a: {  	(xrf0) =	vadd.scan.msk.s32 $0xffff, v1;
	_ =	sdelay $0x4  }
0x14b: {  	v1, _, _ =	vpop (xrf0)  }
0x14c: {  	v2, _, _ =	vpop (xrf0);
	(v2sf) =	vpush v1, $0xF  }
.Ltmp6:
0x14d: {  	(v2sf) =	vpush v2, $0xF;
	(pc) =	sbr.rel @p2 .LBB2_13-.Ltmp6, $2  }
0x14e: {  	_ =	sdelay $0x2  }
0x14f: {  	s10 =	sadd.s32 $0x10, s10;
	s9 =	sadd.s32 $0x10, s9  }
0x150: {  	v1 =	vld [tilespmem:s10+$0x0];
	_ =	sdelay $0x4  }
0x151: {  	(xrf0) =	vadd.scan.msk.s32 $0xffff, v1;
	_ =	sdelay $0x3  }
0x152: {  	s9 =	spop (v2sf)  }
0x153: {  	s29 =	spop (v2sf)  }
0x154: {  	s8 =	sadd.s32 s8, s29;
	v2, _, _ =	vpop (xrf0)  }
0x155: {  	v2 =	vadd.s32 s8, v2  }
0x156: {  	p3 =	slt.s32 s9, $0x10;
	vm2 =	vlt.s32 v2, $0x20000  }
0x157: {  	p2 =	por p1, p3;
	v0 =	vsel vm2, $0x1, v0  }
0x158: {  	vm3 =	vmmov vm1;
	p4 =	por !p2, !p2;
	(xrf0) =	vadd.scan.msk.s32 $0xffff, v0  }
0x159: {  	vm3 =	vmneg @p4 vm3  }
0x15a: {  	vm2 =	vmand vm3, vm2  }
0x15b: {  	v0 =	vnsel vm2, $0x0, v1  }
0x15c: {  	(xrf0) =	vadd.scan.msk.s32 $0xffff, v0;
	_ =	sdelay $0x1  }
0x15d: {  	v0, _, _ =	vpop (xrf0)  }
0x15e: {  	(v2sf) =	vpush v0, $0xF;
	_ =	sdelay $0x2  }
0x15f: {  	v0, _, _ =	vpop (xrf0)  }
0x160: {  	(v2sf) =	vpush v0, $0xF;
	_ =	sdelay $0x9  }
0x161: {  	s7 =	sadd.s32 s7, s9  }
0x162: {  	s7 =	smov.u32 @p1 s5;
	s30 =	spop (v2sf)  }
0x163: {  	s5 =	smov.u32 @p3 s7;
	s6 =	sadd.s32 s6, s30  }
0x164: {  	p1 =	slt.s32 s30, $0x10;
	s6 =	smov.u32 @p2 s5  }
0x165: {  	s5 =	smov.u32 @p1 s6  }
0x166: {  	s7 =	simm.s32 $0x18020;
	v0 =	vimm.s32 $0x0;
	s31 =	spop (v2sf);
	s6 =	sshll.u32 s5, $0x4  }
0x167: {  	v1 =	vld [tilespmem:s6+$0x18000];
	_ =	strace $0x9000004B;
	[tilespmem:s7+$0xFFFFFFE0] =	vst v0  }
0x168: {  	[tilespmem:s7+$0x10] =	vst v0  }
0x169: {  	s5 =	sadd.s32 s8, s31;
	s8 =	simm.s32 $0x0;
	[tilespmem:s7+$0x0] =	vst v0  }
.LBB2_15:
0x16a: {  	s8 =	sadd.s32 $0x4, s8  }
0x16b: {  	[tilespmem:s7+$0xFFFFFFF0] =	vst v0;
	s7 =	sadd.s32 $0x40, s7;
	p1 =	slt.u32 s8, $0x7C  }
.Ltmp7:
0x16c: {  	[tilespmem:s7+$0xFFFFFFE0] =	vst v0;
	(pc) =	sbr.rel @p1 .LBB2_15-.Ltmp7, $3  }
0x16d: {  	_ =	sdelay $0x1  }
0x16e: {  	[tilespmem:s7+$0x10] =	vst v0  }
0x16f: {  	[tilespmem:s7+$0x0] =	vst v0  }
0x170: {  	(xrf0) =	vadd.scan.msk.s32 $0xffff, v1;
	_ =	sdelay $0x5  }
0x171: {  	v2, _, _ =	vpop (xrf0)  }
0x172: {  	v2 =	vadd.s32 s5, v2  }
0x173: {  	vm2 =	vlt.s32 v2, $0x20000  }
0x174: {  	v1 =	vnsel vm2, $0x0, v1  }
0x175: {  	(xrf0) =	vadd.scan.msk.s32 $0xffff, v1;
	v1 =	vimm.s32 $0x0  }
0x176: {  	v1 =	vsel vm2, $0x1, v1  }
0x177: {  	(xrf0) =	vadd.scan.msk.s32 $0xffff, v1;
	_ =	sdelay $0x4  }
0x178: {  	v1, _, _ =	vpop (xrf0)  }
0x179: {  	(v2sf) =	vpush v1, $0xF;
	v1, _, _ =	vpop (xrf0)  }
0x17a: {  	(v2sf) =	vpush v1, $0xF;
	_ =	sdelay $0xb  }
0x17b: {  	[tilespmem:s7+$0xFFFFFFF0] =	vst v0;
	s7 =	simm.s32 @!p0 $0x18000  }
0x17c: {  	[spmem:s4] =	stream.linear.scatter @!p0 [tilespmem:s7], [sflag:$0x5], $0x800, $0x38;
	[tilespmem:$0x18AA0] =	vst v63  }
0x17d: {  	s8 =	spop (v2sf)  }
0x17e: {  	s9 =	simm.s32 @!p0 $0x5;
	s30 =	spop (v2sf)  }
0x17f: {  	_ =	swait.ge @!p0 [sflag:s9], $0x800  }
0x180: {  	[sflag:s9] =	ssyncset.done @!p0 $0x0  }
0x181: {  	[sflag:s9] =	ssyncadd.s32 @!p0 $0xFFFFF800  }
0x182: {  	[bflag:$0x0] =	sbarrier.arrive $0xFFFF  }
0x183: {  	s31 =	simm.s32 $0x10040;
	_ =	strace $0x8000004C  }
0x184: {  	v0 =	vld [tilespmem:s31+$0xFFFFFFC0]  }
0x185: {  	v4 =	vld [tilespmem:s31+$0xFFFFFFE0];
	_ =	sdelay $0x1  }
0x186: {  	s10 =	sadd.s32 s6, s30  }
0x187: {  	s6 =	sand.u32 $0xFFF, s10;
	v6 =	vld [tilespmem:s31+$0xFFFFFFF0]  }
0x188: {  	v1 =	vmov s6;
	v8 =	vld [tilespmem:s31+$0x20];
	v2 =	vshrl.u32 v0, $0x14  }
0x189: {  	v0 =	vshrl.u32 v0, $0xA;
	v5 =	vshrl.u32 v4, $0x14;
	vm5 =	veq.s32 v2, v1  }
0x18a: {  	v10 =	vld [tilespmem:s31+$0x30];
	v4 =	vshrl.u32 v4, $0xA;
	v9 =	vand.u32 $0x3FF, v0;
	vm4 =	veq.s32 v5, v1  }
0x18b: {  	v2 =	vld [tilespmem:s31+$0xFFFFFFD0];
	v5 =	vand.u32 $0x3FF, v4  }
0x18c: {  	v3 =	vshrl.u32 v6, $0xA  }
0x18d: {  	v11 =	vshrl.u32 v8, $0x14;
	v0 =	vimm.s32 $0x1;
	v4 =	vshrl.u32 v6, $0x14;
	v6 =	vld [tilespmem:s31+$0x10]  }
0x18e: {  	s7 =	simm.s32 $0x18000;
	s6 =	sadd.s32 s5, s8;
	v7 =	vld [tilespmem:s31+$0x0];
	vm3 =	veq.s32 v11, v1;
	vm2 =	veq.s32 v4, v1;
	v4 =	vshrl.u32 v8, $0xA  }
0x18f: {  	s5 =	sshll.u32 s10, $0x14;
	s8 =	simm.s32 $0x0;
	s9 =	simm.s32 $0x100C0;
	v8 =	vshrl.u32 v10, $0xA;
	v4 =	vand.u32 $0x3FF, v4;
	[tilespmem:v9+s7+$0x0] =	vst.idx.add.s32.msk vm5, v0;
	v9 =	vshrl.u32 v10, $0x14  }
.LBB2_17:
0x190: {  	s8 =	sadd.s32 $0x8, s8;
	v10 =	vshrl.u32 v2, $0x14;
	[tilespmem:v5+s7+$0x0] =	vst.idx.add.s32.msk vm4, v0;
	vm5 =	veq.s32 v9, v1  }
0x191: {  	v2 =	vshrl.u32 v2, $0xA;
	v5 =	vand.u32 $0x3FF, v3;
	v9 =	vld [tilespmem:s9+$0xFFFFFFF0];
	p1 =	slt.u32 s8, $0x7F8;
	vm6 =	veq.s32 v10, v1  }
0x192: {  	v8 =	vand.u32 $0x3FF, v8;
	v11 =	vand.u32 $0x3FF, v2;
	v10 =	vld [tilespmem:s9+$0xFFFFFFE0];
	v2 =	vshrl.u32 v6, $0x14  }
0x193: {  	v12 =	vld [tilespmem:s9+$0xFFFFFFC0];
	v3 =	vshrl.u32 v7, $0x14;
	vm7 =	veq.s32 v2, v1;
	v2 =	vshrl.u32 v6, $0xA  }
0x194: {  	v13 =	vld [tilespmem:s9+$0x30];
	vm8 =	veq.s32 v3, v1;
	v3 =	vshrl.u32 v7, $0xA;
	v6 =	vand.u32 $0x3FF, v2  }
0x195: {  	v14 =	vld [tilespmem:s9+$0x20];
	v7 =	vand.u32 $0x3FF, v3  }
0x196: {  	v2 =	vld [tilespmem:s9+$0xFFFFFFD0];
	v3 =	vshrl.u32 v9, $0xA  }
0x197: {  	[tilespmem:v5+s7+$0x0] =	vst.idx.add.s32.msk vm2, v0  }
0x198: {  	v15 =	vshrl.u32 v10, $0x14;
	v10 =	vshrl.u32 v10, $0xA;
	v5 =	vshrl.u32 v12, $0x14;
	[tilespmem:v4+s7+$0x0] =	vst.idx.add.s32.msk vm3, v0  }
0x199: {  	v4 =	vshrl.u32 v12, $0xA;
	vm4 =	veq.s32 v15, v1;
	vm9 =	veq.s32 v5, v1;
	[tilespmem:v6+s7+$0x0] =	vst.idx.add.s32.msk vm7, v0  }
0x19a: {  	v4 =	vand.u32 $0x3FF, v4;
	v5 =	vand.u32 $0x3FF, v10;
	[tilespmem:v7+s7+$0x0] =	vst.idx.add.s32.msk vm8, v0  }
.Ltmp8:
0x19b: {  	v6 =	vshrl.u32 v9, $0x14;
	[tilespmem:v8+s7+$0x0] =	vst.idx.add.s32.msk vm5, v0;
	(pc) =	sbr.rel @p1 .LBB2_17-.Ltmp8, $4  }
0x19c: {  	vm2 =	veq.s32 v6, v1;
	[tilespmem:v11+s7+$0x0] =	vst.idx.add.s32.msk vm6, v0  }
0x19d: {  	v8 =	vshrl.u32 v14, $0x14;
	v6 =	vld [tilespmem:s9+$0x10]  }
0x19e: {  	vm3 =	veq.s32 v8, v1;
	v8 =	vshrl.u32 v14, $0xA;
	v7 =	vld [tilespmem:s9+$0x0]  }
0x19f: {  	v9 =	vshrl.u32 v13, $0x14;
	s9 =	sadd.s32 $0x80, s9;
	[tilespmem:v4+s7+$0x0] =	vst.idx.add.s32.msk vm9, v0;
	v4 =	vand.u32 $0x3FF, v8;
	v8 =	vshrl.u32 v13, $0xA  }
0x1a0: {  	_ = 	snop  }
0x1a1: {  	v3 =	vand.u32 $0x3FF, v3  }
0x1a2: {  	vm7 =	veq.s32 v9, v1;
	v10 =	vshrl.u32 v6, $0x14;
	v6 =	vshrl.u32 v6, $0xA  }
0x1a3: {  	v11 =	vshrl.u32 v7, $0x14;
	vm5 =	veq.s32 v10, v1;
	v7 =	vshrl.u32 v7, $0xA  }
0x1a4: {  	v6 =	vand.u32 $0x3FF, v6;
	v10 =	vshrl.u32 v2, $0x14;
	vm6 =	veq.s32 v11, v1  }
0x1a5: {  	vm15 =	veq.s32 v10, v1;
	v1 =	vshrl.u32 v2, $0xA;
	v2 =	vand.u32 $0x3FF, v8  }
0x1a6: {  	[tilespmem:v5+s7+$0x0] =	vst.idx.add.s32.msk vm4, v0;
	v7 =	vand.u32 $0x3FF, v7  }
0x1a7: {  	[tilespmem:v4+s7+$0x0] =	vst.idx.add.s32.msk vm3, v0;
	v1 =	vand.u32 $0x3FF, v1  }
0x1a8: {  	[tilespmem:v3+s7+$0x0] =	vst.idx.add.s32.msk vm2, v0  }
0x1a9: {  	[tilespmem:v6+s7+$0x0] =	vst.idx.add.s32.msk vm5, v0  }
0x1aa: {  	[tilespmem:v2+s7+$0x0] =	vst.idx.add.s32.msk vm7, v0  }
0x1ab: {  	[tilespmem:v7+s7+$0x0] =	vst.idx.add.s32.msk vm6, v0  }
0x1ac: {  	[tilespmem:v1+s7+$0x0] =	vst.idx.add.s32.msk vm15, v0  }
0x1ad: {  	s26 =	simm.s32 $0x80;
	s8 =	simm.s32 $0x18800;
	_ =	strace $0x9000004C  }
0x1ae: {  	s9 =	simm.s32 $0x18000;
	s28 =	simm.s32 $0x5;
	_ =	strace $0x8000004D  }
0x1af: {  	[spmem:s4] =	stream.indirect.scatter.add.s32 [tilespmem:s9], [sflag:$0x5], $0x10, s8, s26, $0x2000b8;
	[tilespmem:$0x18AA0] =	vst v63  }
0x1b0: {  	_ =	swait.ge [sflag:s28], $0x800  }
0x1b1: {  	[sflag:s28] =	ssyncset.done $0x0  }
0x1b2: {  	[sflag:s28] =	ssyncadd.s32 $0xFFFFF800  }
0x1b3: {  	[bflag:$0x0] =	sbarrier.arrive $0xFFFF  }
0x1b4: {  	[tilespmem:s9], [sflag:$0x5] =	stream.linear.gather [spmem:s4], $0x800, $0x200038;
	[tilespmem:$0x18AA0] =	vst v63  }
0x1b5: {  	_ =	swait.ge [sflag:s28], $0x800  }
0x1b6: {  	[sflag:s28] =	ssyncset.done $0x0  }
0x1b7: {  	[sflag:s28] =	ssyncadd.s32 $0xFFFFF800  }
0x1b8: {  	[bflag:$0x0] =	sbarrier.arrive $0xFFFF  }
0x1b9: {  	v0 =	vimm.s32 $0x0;
	_ =	strace $0x9000004D  }
0x1ba: {  	_ =	strace $0x8000004E;
	[tilespmem:$0x18990] =	vst v0  }
0x1bb: {  	[tilespmem:$0x189A0] =	vst v0  }
0x1bc: {  	[tilespmem:$0x189B0] =	vst v0  }
0x1bd: {  	[tilespmem:$0x189C0] =	vst v0  }
0x1be: {  	[tilespmem:$0x189D0] =	vst v0  }
0x1bf: {  	[tilespmem:$0x189E0] =	vst v0  }
0x1c0: {  	[tilespmem:$0x189F0] =	vst v0  }
0x1c1: {  	s29 =	simm.s32 $0x18020;
	[tilespmem:$0x18A00] =	vst v0  }
0x1c2: {  	v0 =	vld [tilespmem:s29+$0x10]  }
0x1c3: {  	v1 =	vld [tilespmem:s29+$0xFFFFFFE0]  }
0x1c4: {  	s30 =	simm.s32 $0x3  }
0x1c5: {  	v2 =	vmov s30;
	s7 =	simm.s32 $0x0;
	v4 =	vld [tilespmem:s29+$0x0]  }
0x1c6: {  	v2 =	vand.u32 $0xF, v2;
	v3 =	vmov s7;
	s11 =	sand.u32 $0xFFFFFFF0, s7  }
0x1c7: {  	s10 =	simm.s32 $0x2;
	v3 =	vand.u32 $0xC, v3;
	v2 =	vor.u32 s11, v2;
	(xrf0) =	vadd.scan.msk.s32 $0xffff, v0  }
0x1c8: {  	s12 =	simm.s32 $0x1;
	s8 =	simm.s32 $0x4;
	v9 =	vbroadcast v2, $0x0;
	v0 =	vor.u32 s11, v3;
	v3 =	vld [tilespmem:s29+$0xFFFFFFF0];
	(xrf0) =	vadd.scan.msk.s32 $0xffff, v1;
	v1 =	vmov s10  }
0x1c9: {  	v7 =	vmov s12;
	v2 =	vmov s8;
	s10 =	simm.s32 $0x18060;
	v5 =	vand.u32 $0xE, v1  }
0x1ca: {  	v2 =	vand.u32 $0xC, v2;
	s9 =	sand.u32 $0xFFFFFFF0, s8;
	v0 =	vbroadcast v0, $0x0;
	v1 =	vld [tilespmem:s10+$0x0];
	(xrf0) =	vadd.scan.msk.s32 $0xffff, v4;
	v5 =	vor.u32 s11, v5  }
0x1cb: {  	s31 =	simm.s32 $0x7;
	v7 =	vand.u32 $0xD, v7;
	v8 =	vor.u32 s9, v2;
	v6 =	vld [tilespmem:s10+$0x10];
	v2 =	vbroadcast v5, $0x0  }
0x1cc: {  	s13 =	simm.s32 $0x6;
	v7 =	vor.u32 s11, v7;
	v4 =	vmov s31;
	v5 =	vld [tilespmem:s10+$0xFFFFFFE0]  }
0x1cd: {  	v10 =	vmov s13;
	v11 =	vand.u32 $0xF, v4;
	s11 =	simm.s32 $0x18990;
	v4 =	vbroadcast v7, $0x0;
	(xrf0) =	vadd.scan.msk.s32 $0xffff, v3;
	v3 =	vld [tilespmem:s10+$0xFFFFFFF0];
	v12, _, _ =	vpop (xrf0)  }
0x1ce: {  	s12 =	simm.s32 $0x8;
	v7 =	vbroadcast v8, $0x0;
	v8 =	vand.u32 $0xE, v10;
	v10 =	vor.u32 s9, v11;
	[tilespmem:v9+s11+$0x0] =	vst.idx.add.s32.msk vm0, v12;
	v9, _, _ =	vpop (xrf0)  }
.LBB2_19:
0x1cf: {  	p1 =	slt.u32 s12, $0x3C  }
0x1d0: {  	v11 =	vmov s12;
	v12 =	vbroadcast v10, $0x0;
	s10 =	sadd.s32 $0x40, s10;
	(xrf0) =	vadd.scan.msk.s32 $0xffff, v6;
	[tilespmem:v0+s11+$0x0] =	vst.idx.add.s32.msk vm0, v9;
	v0, _, _ =	vpop (xrf0);
	s13 =	smov.u32 s12;
	s12 =	sadd.s32 $0x4, s12  }
0x1d1: {  	v8 =	vor.u32 s9, v8;
	s14 =	sand.u32 $0xFFFFFFF0, s13;
	v6 =	vand.u32 $0xC, v11;
	(xrf0) =	vadd.scan.msk.s32 $0xffff, v5;
	[tilespmem:v2+s11+$0x0] =	vst.idx.add.s32.msk vm0, v0;
	v0 =	vmovc v7  }
0x1d2: {  	s15 =	sadd.s32 $0x1, s8;
	v2 =	vbroadcast v8, $0x0;
	s8 =	smov.u32 s13;
	v7 =	vor.u32 s14, v6;
	(xrf0) =	vadd.scan.msk.s32 $0xffff, v1;
	v1 =	vld [tilespmem:s10+$0x0]  }
.Ltmp9:
0x1d3: {  	v8 =	vmov s15;
	v6 =	vld [tilespmem:s10+$0x10];
	v9, _, _ =	vpop (xrf0);
	(pc) =	sbr.rel @p1 .LBB2_19-.Ltmp9, $4  }
0x1d4: {  	s13 =	sadd.s32 $0x3, s8;
	v8 =	vand.u32 $0xD, v8;
	v5 =	vld [tilespmem:s10+$0xFFFFFFE0]  }
0x1d5: {  	s15 =	sadd.s32 $0x2, s8;
	v10 =	vmov s13;
	v8 =	vor.u32 s9, v8;
	s9 =	smov.u32 s14;
	(xrf0) =	vadd.scan.msk.s32 $0xffff, v3;
	[tilespmem:v4+s11+$0x0] =	vst.idx.add.s32.msk vm0, v9  }
0x1d6: {  	v13 =	vmov s15;
	v10 =	vand.u32 $0xF, v10;
	v4 =	vbroadcast v8, $0x0;
	v3 =	vld [tilespmem:s10+$0xFFFFFFF0];
	v11, _, _ =	vpop (xrf0)  }
0x1d7: {  	v7 =	vbroadcast v7, $0x0;
	v8 =	vand.u32 $0xE, v13;
	v10 =	vor.u32 s9, v10;
	[tilespmem:v12+s11+$0x0] =	vst.idx.add.s32.msk vm0, v11;
	v9, _, _ =	vpop (xrf0)  }
0x1d8: {  	(xrf0) =	vadd.scan.msk.s32 $0xffff, v6;
	s8 =	sadd.s32 $0x1, s8  }
0x1d9: {  	(xrf0) =	vadd.scan.msk.s32 $0xffff, v5;
	v62 =	vmov s8  }
0x1da: {  	v61 =	vbroadcast v10, $0x0;
	(xrf0) =	vadd.scan.msk.s32 $0xffff, v1;
	v1 =	vand.u32 $0xD, v62  }
0x1db: {  	v8 =	vor.u32 s9, v8;
	v1 =	vor.u32 s9, v1  }
0x1dc: {  	v63 =	vbroadcast v8, $0x0;
	(xrf0) =	vadd.scan.msk.s32 $0xffff, v3  }
0x1dd: {  	[tilespmem:v0+s11+$0x0] =	vst.idx.add.s32.msk vm0, v9;
	v3, _, _ =	vpop (xrf0);
	v0 =	vbroadcast v1, $0x0  }
0x1de: {  	[tilespmem:v2+s11+$0x0] =	vst.idx.add.s32.msk vm0, v3;
	v1, _, _ =	vpop (xrf0)  }
0x1df: {  	s31 =	simm.s32 $0x18990;
	[tilespmem:v4+s11+$0x0] =	vst.idx.add.s32.msk vm0, v1;
	v1, _, _ =	vpop (xrf0)  }
0x1e0: {  	[tilespmem:v61+s31+$0x0] =	vst.idx.add.s32.msk vm0, v1;
	v1, _, _ =	vpop (xrf0)  }
0x1e1: {  	[tilespmem:v7+s31+$0x0] =	vst.idx.add.s32.msk vm0, v1;
	v1, _, _ =	vpop (xrf0)  }
0x1e2: {  	[tilespmem:v63+s31+$0x0] =	vst.idx.add.s32.msk vm0, v1;
	v1, _, _ =	vpop (xrf0)  }
0x1e3: {  	[tilespmem:v0+s31+$0x0] =	vst.idx.add.s32.msk vm0, v1  }
0x1e4: {  	v1 =	vld [tilespmem:s31+$0x0];
	_ =	sdelay $0x4  }
0x1e5: {  	(xrf0) =	vadd.scan.msk.s32 $0xffff, v1;
	_ =	sdelay $0x5  }
0x1e6: {  	p1 =	por $0x0, $0x0;
	v0, _, _ =	vpop (xrf0)  }
0x1e7: {  	vm2 =	vmmov vm1;
	p2 =	por !p1, !p1;
	v2 =	vadd.s32 s6, v0  }
0x1e8: {  	vm2 =	vmneg @p2 vm2;
	v0 =	vimm.s32 $0x0;
	vm3 =	vlt.s32 v2, $0x20000  }
0x1e9: {  	vm2 =	vmand vm2, vm3;
	v2 =	vsel vm3, $0x1, v0  }
0x1ea: {  	v1 =	vnsel vm2, $0x0, v1;
	(xrf0) =	vadd.scan.msk.s32 $0xffff, v2  }
0x1eb: {  	(xrf0) =	vadd.scan.msk.s32 $0xffff, v1;
	_ =	sdelay $0x4  }
0x1ec: {  	v1, _, _ =	vpop (xrf0)  }
0x1ed: {  	v2, _, _ =	vpop (xrf0);
	(v2sf) =	vpush v1, $0xF  }
0x1ee: {  	(v2sf) =	vpush v2, $0xF;
	_ =	sdelay $0x2  }
0x1ef: {  	s10 =	simm.s32 $0x189A0  }
0x1f0: {  	s8 =	simm.s32 $0x10;
	s9 =	simm.s32 $0x0;
	s11 =	simm.s32 $0x20  }
.LBB2_21:
0x1f1: {  	p2 =	sne.s32 s11, $0x30;
	v1 =	vld [tilespmem:s10+$0x0];
	_ =	sdelay $0x4  }
0x1f2: {  	(xrf0) =	vadd.scan.msk.s32 $0xffff, v1;
	_ =	sdelay $0x3  }
0x1f3: {  	s12 =	spop (v2sf)  }
0x1f4: {  	p3 =	slt.s32 s12, $0x10;
	s9 =	sadd.s32 s9, s12;
	s12 =	spop (v2sf)  }
0x1f5: {  	v2, _, _ =	vpop (xrf0);
	s9 =	smov.u32 @p1 s7;
	s6 =	sadd.s32 s6, s12;
	p1 =	por p1, p3  }
0x1f6: {  	vm3 =	vmmov vm1;
	v2 =	vadd.s32 s6, v2;
	p4 =	por !p1, !p1;
	s7 =	smov.u32 @p3 s9;
	s9 =	smov.u32 s8  }
0x1f7: {  	s8 =	smov.u32 s11;
	vm2 =	vlt.s32 v2, $0x20000;
	vm3 =	vmneg @p4 vm3  }
0x1f8: {  	vm3 =	vmand vm3, vm2;
	v2 =	vsel vm2, $0x1, v0  }
0x1f9: {  	v1 =	vnsel vm3, $0x0, v1;
	(xrf0) =	vadd.scan.msk.s32 $0xffff, v2  }
0x1fa: {  	(xrf0) =	vadd.scan.msk.s32 $0xffff, v1;
	_ =	sdelay $0x4  }
0x1fb: {  	v1, _, _ =	vpop (xrf0)  }
0x1fc: {  	v2, _, _ =	vpop (xrf0);
	(v2sf) =	vpush v1, $0xF  }
.Ltmp10:
0x1fd: {  	(v2sf) =	vpush v2, $0xF;
	(pc) =	sbr.rel @p2 .LBB2_21-.Ltmp10, $2  }
0x1fe: {  	_ =	sdelay $0x2  }
0x1ff: {  	s10 =	sadd.s32 $0x10, s10;
	s11 =	sadd.s32 $0x10, s11  }
0x200: {  	v1 =	vld [tilespmem:s10+$0x0];
	_ =	sdelay $0x4  }
0x201: {  	(xrf0) =	vadd.scan.msk.s32 $0xffff, v1;
	_ =	sdelay $0x3  }
0x202: {  	s29 =	spop (v2sf)  }
0x203: {  	s11 =	spop (v2sf)  }
0x204: {  	s6 =	sadd.s32 s6, s11;
	v2, _, _ =	vpop (xrf0)  }
0x205: {  	v2 =	vadd.s32 s6, v2  }
0x206: {  	p3 =	slt.s32 s29, $0x10;
	vm2 =	vlt.s32 v2, $0x20000  }
0x207: {  	p2 =	por p1, p3;
	v0 =	vsel vm2, $0x1, v0  }
0x208: {  	vm3 =	vmmov vm1;
	p4 =	por !p2, !p2;
	(xrf0) =	vadd.scan.msk.s32 $0xffff, v0  }
0x209: {  	vm3 =	vmneg @p4 vm3  }
0x20a: {  	vm2 =	vmand vm3, vm2  }
0x20b: {  	v0 =	vnsel vm2, $0x0, v1  }
0x20c: {  	(xrf0) =	vadd.scan.msk.s32 $0xffff, v0;
	_ =	sdelay $0x1  }
0x20d: {  	v0, _, _ =	vpop (xrf0)  }
0x20e: {  	(v2sf) =	vpush v0, $0xF;
	_ =	sdelay $0x2  }
0x20f: {  	v0, _, _ =	vpop (xrf0)  }
0x210: {  	(v2sf) =	vpush v0, $0xF;
	_ =	sdelay $0x9  }
0x211: {  	s9 =	sadd.s32 s9, s29  }
0x212: {  	s9 =	smov.u32 @p1 s7;
	s30 =	spop (v2sf)  }
0x213: {  	s7 =	smov.u32 @p3 s9;
	s8 =	sadd.s32 s8, s30  }
0x214: {  	p1 =	slt.s32 s30, $0x10;
	s8 =	smov.u32 @p2 s7  }
0x215: {  	s7 =	smov.u32 @p1 s8  }
0x216: {  	v0 =	vimm.s32 $0x0;
	s31 =	spop (v2sf);
	s8 =	simm.s32 $0x18020;
	s7 =	sshll.u32 s7, $0x4  }
0x217: {  	v1 =	vld [tilespmem:s7+$0x18000];
	_ =	strace $0x9000004E;
	[tilespmem:s8+$0xFFFFFFE0] =	vst v0  }
0x218: {  	[tilespmem:s8+$0x10] =	vst v0  }
0x219: {  	s9 =	simm.s32 $0x0;
	s6 =	sadd.s32 s6, s31;
	[tilespmem:s8+$0x0] =	vst v0  }
.LBB2_23:
0x21a: {  	s9 =	sadd.s32 $0x4, s9  }
0x21b: {  	[tilespmem:s8+$0xFFFFFFF0] =	vst v0;
	s8 =	sadd.s32 $0x40, s8;
	p1 =	slt.u32 s9, $0x7C  }
.Ltmp11:
0x21c: {  	[tilespmem:s8+$0xFFFFFFE0] =	vst v0;
	(pc) =	sbr.rel @p1 .LBB2_23-.Ltmp11, $3  }
0x21d: {  	_ =	sdelay $0x1  }
0x21e: {  	[tilespmem:s8+$0x10] =	vst v0  }
0x21f: {  	[tilespmem:s8+$0x0] =	vst v0  }
0x220: {  	(xrf0) =	vadd.scan.msk.s32 $0xffff, v1;
	_ =	sdelay $0x5  }
0x221: {  	v2, _, _ =	vpop (xrf0)  }
0x222: {  	v2 =	vadd.s32 s6, v2  }
0x223: {  	vm2 =	vlt.s32 v2, $0x20000  }
0x224: {  	v1 =	vnsel vm2, $0x0, v1  }
0x225: {  	(xrf0) =	vadd.scan.msk.s32 $0xffff, v1;
	v1 =	vimm.s32 $0x0  }
0x226: {  	v1 =	vsel vm2, $0x1, v1  }
0x227: {  	(xrf0) =	vadd.scan.msk.s32 $0xffff, v1;
	_ =	sdelay $0x4  }
0x228: {  	v1, _, _ =	vpop (xrf0)  }
0x229: {  	(v2sf) =	vpush v1, $0xF;
	v1, _, _ =	vpop (xrf0)  }
0x22a: {  	(v2sf) =	vpush v1, $0xF;
	_ =	sdelay $0xb  }
0x22b: {  	[tilespmem:s8+$0xFFFFFFF0] =	vst v0;
	s8 =	simm.s32 @!p0 $0x18000  }
0x22c: {  	[spmem:s4] =	stream.linear.scatter @!p0 [tilespmem:s8], [sflag:$0x5], $0x800, $0x38;
	[tilespmem:$0x18AA0] =	vst v63  }
0x22d: {  	s9 =	spop (v2sf)  }
0x22e: {  	s10 =	simm.s32 @!p0 $0x5;
	s30 =	spop (v2sf)  }
0x22f: {  	_ =	swait.ge @!p0 [sflag:s10], $0x800  }
0x230: {  	[sflag:s10] =	ssyncset.done @!p0 $0x0  }
0x231: {  	[sflag:s10] =	ssyncadd.s32 @!p0 $0xFFFFF800  }
0x232: {  	[bflag:$0x0] =	sbarrier.arrive $0xFFFF  }
0x233: {  	s31 =	simm.s32 $0x10040;
	_ =	strace $0x8000004F  }
0x234: {  	v1 =	vld [tilespmem:s31+$0x30]  }
0x235: {  	s7 =	sadd.s32 s7, s30;
	v2 =	vld [tilespmem:s31+$0xFFFFFFD0]  }
0x236: {  	s7 =	sshll.u32 s7, $0xA;
	v4 =	vld [tilespmem:s31+$0xFFFFFFF0]  }
0x237: {  	s5 =	sor.u32 s5, s7;
	v3 =	vld [tilespmem:s31+$0xFFFFFFE0]  }
0x238: {  	s7 =	sshrl.u32 s5, $0xA  }
0x239: {  	v0 =	vmov s7;
	v6 =	vld [tilespmem:s31+$0x0];
	v5 =	vshrl.u32 v1, $0xA  }
0x23a: {  	v10 =	vld [tilespmem:s31+$0x20];
	v7 =	vshrl.u32 v2, $0xA;
	vm3 =	veq.s32 v5, v0  }
0x23b: {  	v8 =	vand.u32 $0x3FF, v1;
	v1 =	vshrl.u32 v4, $0xA;
	v5 =	vld [tilespmem:s31+$0x10];
	vm4 =	veq.s32 v7, v0  }
0x23c: {  	v9 =	vand.u32 $0x3FF, v2;
	v7 =	vshrl.u32 v3, $0xA;
	vm6 =	veq.s32 v1, v0  }
0x23d: {  	v12 =	vand.u32 $0x3FF, v4;
	vm5 =	veq.s32 v7, v0;
	v7 =	vld [tilespmem:s31+$0xFFFFFFC0]  }
0x23e: {  	v11 =	vand.u32 $0x3FF, v3  }
0x23f: {  	s7 =	simm.s32 $0x18000;
	v1 =	vimm.s32 $0x1  }
0x240: {  	v2 =	vshrl.u32 v6, $0xA;
	v4 =	vshrl.u32 v10, $0xA;
	v3 =	vshrl.u32 v5, $0xA;
	[tilespmem:v8+s7+$0x0] =	vst.idx.add.s32.msk vm3, v1  }
0x241: {  	vm2 =	veq.s32 v2, v0;
	v2 =	vand.u32 $0x3FF, v6;
	vm3 =	veq.s32 v3, v0;
	[tilespmem:v9+s7+$0x0] =	vst.idx.add.s32.msk vm4, v1  }
0x242: {  	v3 =	vand.u32 $0x3FF, v5;
	v6 =	vshrl.u32 v7, $0xA;
	v5 =	vand.u32 $0x3FF, v7;
	[tilespmem:v12+s7+$0x0] =	vst.idx.add.s32.msk vm6, v1  }
0x243: {  	s8 =	simm.s32 $0x0;
	s6 =	sadd.s32 s6, s9;
	s9 =	simm.s32 $0x100C0;
	vm4 =	veq.s32 v4, v0;
	v4 =	vand.u32 $0x3FF, v10;
	[tilespmem:v11+s7+$0x0] =	vst.idx.add.s32.msk vm5, v1;
	vm5 =	veq.s32 v6, v0  }
.LBB2_25:
0x244: {  	v6 =	vld [tilespmem:s9+$0x30];
	s8 =	sadd.s32 $0x8, s8  }
0x245: {  	v7 =	vld [tilespmem:s9+$0xFFFFFFD0];
	p1 =	slt.u32 s8, $0x7F8  }
0x246: {  	v8 =	vld [tilespmem:s9+$0xFFFFFFE0]  }
0x247: {  	v9 =	vld [tilespmem:s9+$0xFFFFFFF0]  }
0x248: {  	v10 =	vld [tilespmem:s9+$0x0]  }
0x249: {  	v11 =	vld [tilespmem:s9+$0x10];
	v12 =	vshrl.u32 v6, $0xA  }
0x24a: {  	v13 =	vshrl.u32 v7, $0xA;
	v7 =	vand.u32 $0x3FF, v7;
	v14 =	vld [tilespmem:s9+$0x20];
	vm6 =	veq.s32 v12, v0  }
0x24b: {  	v6 =	vand.u32 $0x3FF, v6;
	v12 =	vld [tilespmem:s9+$0xFFFFFFC0];
	vm7 =	veq.s32 v13, v0;
	v13 =	vshrl.u32 v8, $0xA  }
0x24c: {  	v8 =	vand.u32 $0x3FF, v8;
	vm8 =	veq.s32 v13, v0;
	v13 =	vshrl.u32 v9, $0xA;
	[tilespmem:v5+s7+$0x0] =	vst.idx.add.s32.msk vm5, v1  }
0x24d: {  	v9 =	vand.u32 $0x3FF, v9;
	vm9 =	veq.s32 v13, v0;
	v5 =	vshrl.u32 v10, $0xA;
	[tilespmem:v2+s7+$0x0] =	vst.idx.add.s32.msk vm2, v1  }
0x24e: {  	v2 =	vand.u32 $0x3FF, v10;
	vm2 =	veq.s32 v5, v0;
	v5 =	vshrl.u32 v11, $0xA;
	[tilespmem:v3+s7+$0x0] =	vst.idx.add.s32.msk vm3, v1  }
.Ltmp12:
0x24f: {  	v3 =	vand.u32 $0x3FF, v11;
	vm3 =	veq.s32 v5, v0;
	v10 =	vshrl.u32 v14, $0xA;
	[tilespmem:v4+s7+$0x0] =	vst.idx.add.s32.msk vm4, v1;
	(pc) =	sbr.rel @p1 .LBB2_25-.Ltmp12, $4  }
0x250: {  	v4 =	vshrl.u32 v12, $0xA;
	v5 =	vand.u32 $0x3FF, v12;
	vm4 =	veq.s32 v10, v0;
	[tilespmem:v6+s7+$0x0] =	vst.idx.add.s32.msk vm6, v1  }
0x251: {  	vm5 =	veq.s32 v4, v0;
	[tilespmem:v7+s7+$0x0] =	vst.idx.add.s32.msk vm7, v1;
	v4 =	vand.u32 $0x3FF, v14  }
0x252: {  	[tilespmem:v8+s7+$0x0] =	vst.idx.add.s32.msk vm8, v1  }
0x253: {  	s9 =	sadd.s32 $0x80, s9;
	[tilespmem:v9+s7+$0x0] =	vst.idx.add.s32.msk vm9, v1  }
0x254: {  	_ =	sdelay $0x4  }
0x255: {  	[tilespmem:v5+s7+$0x0] =	vst.idx.add.s32.msk vm5, v1  }
0x256: {  	[tilespmem:v2+s7+$0x0] =	vst.idx.add.s32.msk vm2, v1  }
0x257: {  	[tilespmem:v3+s7+$0x0] =	vst.idx.add.s32.msk vm3, v1  }
0x258: {  	[tilespmem:v4+s7+$0x0] =	vst.idx.add.s32.msk vm4, v1  }
0x259: {  	s25 =	simm.s32 $0x80;
	s8 =	simm.s32 $0x18800;
	_ =	strace $0x9000004F  }
0x25a: {  	s9 =	simm.s32 $0x18000;
	s26 =	simm.s32 $0x5;
	_ =	strace $0x80000050  }
0x25b: {  	[spmem:s4] =	stream.indirect.scatter.add.s32 [tilespmem:s9], [sflag:$0x5], $0x10, s8, s25, $0x2000b8;
	[tilespmem:$0x18AA0] =	vst v63  }
0x25c: {  	_ =	swait.ge [sflag:s26], $0x800  }
0x25d: {  	[sflag:s26] =	ssyncset.done $0x0  }
0x25e: {  	[sflag:s26] =	ssyncadd.s32 $0xFFFFF800  }
0x25f: {  	[bflag:$0x0] =	sbarrier.arrive $0xFFFF  }
0x260: {  	[tilespmem:s9], [sflag:$0x5] =	stream.linear.gather [spmem:s4], $0x800, $0x200038;
	[tilespmem:$0x18AA0] =	vst v63  }
0x261: {  	_ =	swait.ge [sflag:s26], $0x800  }
0x262: {  	[sflag:s26] =	ssyncset.done $0x0  }
0x263: {  	[sflag:s26] =	ssyncadd.s32 $0xFFFFF800  }
0x264: {  	[bflag:$0x0] =	sbarrier.arrive $0xFFFF  }
0x265: {  	v0 =	vimm.s32 $0x0;
	_ =	strace $0x90000050  }
0x266: {  	_ =	strace $0x80000051;
	[tilespmem:$0x18990] =	vst v0  }
0x267: {  	[tilespmem:$0x189A0] =	vst v0  }
0x268: {  	[tilespmem:$0x189B0] =	vst v0  }
0x269: {  	[tilespmem:$0x189C0] =	vst v0  }
0x26a: {  	[tilespmem:$0x189D0] =	vst v0  }
0x26b: {  	[tilespmem:$0x189E0] =	vst v0  }
0x26c: {  	[tilespmem:$0x189F0] =	vst v0  }
0x26d: {  	s28 =	simm.s32 $0x18020;
	[tilespmem:$0x18A00] =	vst v0  }
0x26e: {  	v0 =	vld [tilespmem:s28+$0x10]  }
0x26f: {  	v1 =	vld [tilespmem:s28+$0xFFFFFFE0]  }
0x270: {  	s29 =	simm.s32 $0x3  }
0x271: {  	v2 =	vmov s29;
	s4 =	simm.s32 $0x0;
	v4 =	vld [tilespmem:s28+$0x0]  }
0x272: {  	v2 =	vand.u32 $0xF, v2;
	v3 =	vmov s4;
	s10 =	sand.u32 $0xFFFFFFF0, s4  }
0x273: {  	s30 =	simm.s32 $0x2;
	v3 =	vand.u32 $0xC, v3;
	v2 =	vor.u32 s10, v2;
	(xrf0) =	vadd.scan.msk.s32 $0xffff, v0  }
0x274: {  	s7 =	simm.s32 $0x4;
	s11 =	simm.s32 $0x1;
	v9 =	vbroadcast v2, $0x0;
	v0 =	vor.u32 s10, v3;
	v3 =	vld [tilespmem:s28+$0xFFFFFFF0];
	(xrf0) =	vadd.scan.msk.s32 $0xffff, v1;
	v1 =	vmov s30  }
0x275: {  	v7 =	vmov s11;
	s9 =	simm.s32 $0x18060;
	v2 =	vmov s7;
	v5 =	vand.u32 $0xE, v1  }
0x276: {  	s8 =	sand.u32 $0xFFFFFFF0, s7;
	v2 =	vand.u32 $0xC, v2;
	v6 =	vld [tilespmem:s9+$0x10];
	v0 =	vbroadcast v0, $0x0;
	(xrf0) =	vadd.scan.msk.s32 $0xffff, v4;
	v5 =	vor.u32 s10, v5  }
0x277: {  	s31 =	simm.s32 $0x7;
	v7 =	vand.u32 $0xD, v7;
	v8 =	vor.u32 s8, v2;
	v1 =	vld [tilespmem:s9+$0x0];
	v2 =	vbroadcast v5, $0x0  }
0x278: {  	s12 =	simm.s32 $0x6;
	v7 =	vor.u32 s10, v7;
	v4 =	vmov s31;
	v5 =	vld [tilespmem:s9+$0xFFFFFFE0]  }
0x279: {  	v10 =	vmov s12;
	v11 =	vand.u32 $0xF, v4;
	s10 =	simm.s32 $0x18990;
	v4 =	vbroadcast v7, $0x0;
	(xrf0) =	vadd.scan.msk.s32 $0xffff, v3;
	v3 =	vld [tilespmem:s9+$0xFFFFFFF0];
	v12, _, _ =	vpop (xrf0)  }
0x27a: {  	s11 =	simm.s32 $0x8;
	v7 =	vbroadcast v8, $0x0;
	v8 =	vand.u32 $0xE, v10;
	v10 =	vor.u32 s8, v11;
	[tilespmem:v9+s10+$0x0] =	vst.idx.add.s32.msk vm0, v12;
	v9, _, _ =	vpop (xrf0)  }
.LBB2_27:
0x27b: {  	p1 =	slt.u32 s11, $0x3C  }
0x27c: {  	v11 =	vmov s11;
	v12 =	vbroadcast v10, $0x0;
	s9 =	sadd.s32 $0x40, s9;
	(xrf0) =	vadd.scan.msk.s32 $0xffff, v6;
	[tilespmem:v0+s10+$0x0] =	vst.idx.add.s32.msk vm0, v9;
	v0, _, _ =	vpop (xrf0);
	s12 =	smov.u32 s11;
	s11 =	sadd.s32 $0x4, s11  }
0x27d: {  	v8 =	vor.u32 s8, v8;
	s13 =	sand.u32 $0xFFFFFFF0, s12;
	v6 =	vand.u32 $0xC, v11;
	(xrf0) =	vadd.scan.msk.s32 $0xffff, v5;
	[tilespmem:v2+s10+$0x0] =	vst.idx.add.s32.msk vm0, v0;
	v0 =	vmovc v7  }
0x27e: {  	s14 =	sadd.s32 $0x1, s7;
	v2 =	vbroadcast v8, $0x0;
	s7 =	smov.u32 s12;
	v7 =	vor.u32 s13, v6;
	(xrf0) =	vadd.scan.msk.s32 $0xffff, v1;
	v1 =	vld [tilespmem:s9+$0x0]  }
.Ltmp13:
0x27f: {  	v8 =	vmov s14;
	v6 =	vld [tilespmem:s9+$0x10];
	v9, _, _ =	vpop (xrf0);
	(pc) =	sbr.rel @p1 .LBB2_27-.Ltmp13, $4  }
0x280: {  	s12 =	sadd.s32 $0x3, s7;
	v8 =	vand.u32 $0xD, v8;
	v5 =	vld [tilespmem:s9+$0xFFFFFFE0]  }
0x281: {  	s14 =	sadd.s32 $0x2, s7;
	v10 =	vmov s12;
	v8 =	vor.u32 s8, v8;
	s8 =	smov.u32 s13;
	(xrf0) =	vadd.scan.msk.s32 $0xffff, v3;
	[tilespmem:v4+s10+$0x0] =	vst.idx.add.s32.msk vm0, v9  }
0x282: {  	v13 =	vmov s14;
	v10 =	vand.u32 $0xF, v10;
	v4 =	vbroadcast v8, $0x0;
	v3 =	vld [tilespmem:s9+$0xFFFFFFF0];
	v11, _, _ =	vpop (xrf0)  }
0x283: {  	v7 =	vbroadcast v7, $0x0;
	v8 =	vand.u32 $0xE, v13;
	v10 =	vor.u32 s8, v10;
	[tilespmem:v12+s10+$0x0] =	vst.idx.add.s32.msk vm0, v11;
	v9, _, _ =	vpop (xrf0)  }
0x284: {  	(xrf0) =	vadd.scan.msk.s32 $0xffff, v6;
	s7 =	sadd.s32 $0x1, s7  }
0x285: {  	(xrf0) =	vadd.scan.msk.s32 $0xffff, v5;
	v62 =	vmov s7  }
0x286: {  	v61 =	vbroadcast v10, $0x0;
	(xrf0) =	vadd.scan.msk.s32 $0xffff, v1;
	v1 =	vand.u32 $0xD, v62  }
0x287: {  	v8 =	vor.u32 s8, v8;
	v1 =	vor.u32 s8, v1  }
0x288: {  	v63 =	vbroadcast v8, $0x0;
	(xrf0) =	vadd.scan.msk.s32 $0xffff, v3  }
0x289: {  	[tilespmem:v0+s10+$0x0] =	vst.idx.add.s32.msk vm0, v9;
	v3, _, _ =	vpop (xrf0);
	v0 =	vbroadcast v1, $0x0  }
0x28a: {  	[tilespmem:v2+s10+$0x0] =	vst.idx.add.s32.msk vm0, v3;
	v1, _, _ =	vpop (xrf0)  }
0x28b: {  	s31 =	simm.s32 $0x18990;
	[tilespmem:v4+s10+$0x0] =	vst.idx.add.s32.msk vm0, v1;
	v1, _, _ =	vpop (xrf0)  }
0x28c: {  	[tilespmem:v61+s31+$0x0] =	vst.idx.add.s32.msk vm0, v1;
	v1, _, _ =	vpop (xrf0)  }
0x28d: {  	[tilespmem:v7+s31+$0x0] =	vst.idx.add.s32.msk vm0, v1;
	v1, _, _ =	vpop (xrf0)  }
0x28e: {  	[tilespmem:v63+s31+$0x0] =	vst.idx.add.s32.msk vm0, v1;
	v1, _, _ =	vpop (xrf0)  }
0x28f: {  	[tilespmem:v0+s31+$0x0] =	vst.idx.add.s32.msk vm0, v1  }
0x290: {  	v1 =	vld [tilespmem:s31+$0x0];
	_ =	sdelay $0x4  }
0x291: {  	(xrf0) =	vadd.scan.msk.s32 $0xffff, v1;
	_ =	sdelay $0x5  }
0x292: {  	p1 =	por $0x0, $0x0;
	v0, _, _ =	vpop (xrf0)  }
0x293: {  	p2 =	por !p1, !p1;
	vm0 =	vmmov vm1;
	v2 =	vadd.s32 s6, v0  }
0x294: {  	vm0 =	vmneg @p2 vm0;
	v0 =	vimm.s32 $0x0;
	vm2 =	vlt.s32 v2, $0x20000  }
0x295: {  	vm0 =	vmand vm0, vm2;
	v2 =	vsel vm2, $0x1, v0  }
0x296: {  	v1 =	vnsel vm0, $0x0, v1;
	(xrf0) =	vadd.scan.msk.s32 $0xffff, v2  }
0x297: {  	(xrf0) =	vadd.scan.msk.s32 $0xffff, v1;
	_ =	sdelay $0x4  }
0x298: {  	v1, _, _ =	vpop (xrf0)  }
0x299: {  	v2, _, _ =	vpop (xrf0);
	(v2sf) =	vpush v1, $0xF  }
0x29a: {  	(v2sf) =	vpush v2, $0xF;
	_ =	sdelay $0x2  }
0x29b: {  	s9 =	simm.s32 $0x189A0  }
0x29c: {  	s7 =	simm.s32 $0x10;
	s8 =	simm.s32 $0x0;
	s10 =	simm.s32 $0x20  }
.LBB2_29:
0x29d: {  	p2 =	sne.s32 s10, $0x30;
	v1 =	vld [tilespmem:s9+$0x0];
	_ =	sdelay $0x4  }
0x29e: {  	(xrf0) =	vadd.scan.msk.s32 $0xffff, v1;
	_ =	sdelay $0x3  }
0x29f: {  	s11 =	spop (v2sf)  }
0x2a0: {  	p3 =	slt.s32 s11, $0x10;
	s8 =	sadd.s32 s8, s11;
	s11 =	spop (v2sf)  }
0x2a1: {  	v2, _, _ =	vpop (xrf0);
	s8 =	smov.u32 @p1 s4;
	s6 =	sadd.s32 s6, s11;
	p1 =	por p1, p3  }
0x2a2: {  	vm2 =	vmmov vm1;
	v2 =	vadd.s32 s6, v2;
	p4 =	por !p1, !p1;
	s4 =	smov.u32 @p3 s8;
	s8 =	smov.u32 s7  }
0x2a3: {  	s7 =	smov.u32 s10;
	vm0 =	vlt.s32 v2, $0x20000;
	vm2 =	vmneg @p4 vm2  }
0x2a4: {  	vm2 =	vmand vm2, vm0;
	v2 =	vsel vm0, $0x1, v0  }
0x2a5: {  	v1 =	vnsel vm2, $0x0, v1;
	(xrf0) =	vadd.scan.msk.s32 $0xffff, v2  }
0x2a6: {  	(xrf0) =	vadd.scan.msk.s32 $0xffff, v1;
	_ =	sdelay $0x4  }
0x2a7: {  	v1, _, _ =	vpop (xrf0)  }
0x2a8: {  	v2, _, _ =	vpop (xrf0);
	(v2sf) =	vpush v1, $0xF  }
.Ltmp14:
0x2a9: {  	(v2sf) =	vpush v2, $0xF;
	(pc) =	sbr.rel @p2 .LBB2_29-.Ltmp14, $2  }
0x2aa: {  	_ =	sdelay $0x2  }
0x2ab: {  	s9 =	sadd.s32 $0x10, s9;
	s10 =	sadd.s32 $0x10, s10  }
0x2ac: {  	v1 =	vld [tilespmem:s9+$0x0];
	_ =	sdelay $0x4  }
0x2ad: {  	(xrf0) =	vadd.scan.msk.s32 $0xffff, v1;
	_ =	sdelay $0x3  }
0x2ae: {  	s26 =	spop (v2sf)  }
0x2af: {  	s10 =	spop (v2sf)  }
0x2b0: {  	s6 =	sadd.s32 s6, s10;
	v2, _, _ =	vpop (xrf0)  }
0x2b1: {  	v2 =	vadd.s32 s6, v2  }
0x2b2: {  	vm0 =	vlt.s32 v2, $0x20000  }
0x2b3: {  	v0 =	vsel vm0, $0x1, v0  }
0x2b4: {  	(xrf0) =	vadd.scan.msk.s32 $0xffff, v0;
	_ =	sdelay $0x5  }
0x2b5: {  	v0, _, _ =	vpop (xrf0)  }
0x2b6: {  	(v2sf) =	vpush v0, $0xF;
	_ =	sdelay $0x1  }
0x2b7: {  	p2 =	slt.s32 s26, $0x10  }
0x2b8: {  	p3 =	por p1, p2  }
0x2b9: {  	p4 =	por !p3, !p3  }
0x2ba: {  	vm1 =	vmneg @p4 vm1  }
0x2bb: {  	vm0 =	vmand vm1, vm0  }
0x2bc: {  	v0 =	vnsel vm0, $0x0, v1  }
0x2bd: {  	(xrf0) =	vadd.scan.msk.s32 $0xffff, v0;
	_ =	sdelay $0x5  }
0x2be: {  	s8 =	sadd.s32 s8, s26;
	v0, _, _ =	vpop (xrf0)  }
0x2bf: {  	s8 =	smov.u32 @p1 s4;
	(v2sf) =	vpush v0, $0xF;
	s28 =	spop (v2sf)  }
0x2c0: {  	s4 =	smov.u32 @p2 s8;
	s7 =	sadd.s32 s7, s28  }
0x2c1: {  	p1 =	slt.s32 s28, $0x10;
	s7 =	smov.u32 @p3 s4  }
0x2c2: {  	s4 =	smov.u32 @p1 s7  }
0x2c3: {  	s7 =	sshll.u32 s4, $0x4  }
0x2c4: {  	v0 =	vld [tilespmem:s7+$0x18000];
	_ =	sdelay $0x4  }
0x2c5: {  	(xrf0) =	vadd.scan.msk.s32 $0xffff, v0;
	_ =	sdelay $0x4  }
0x2c6: {  	s29 =	spop (v2sf)  }
0x2c7: {  	s4 =	sadd.s32 s6, s29;
	v1, _, _ =	vpop (xrf0)  }
0x2c8: {  	v1 =	vadd.s32 s4, v1  }
0x2c9: {  	vm0 =	vlt.s32 v1, $0x20000;
	v1 =	vimm.s32 $0x0  }
0x2ca: {  	v1 =	vsel vm0, $0x1, v1  }
0x2cb: {  	(xrf0) =	vadd.scan.msk.s32 $0xffff, v1;
	_ =	sdelay $0x5  }
0x2cc: {  	v1, _, _ =	vpop (xrf0)  }
0x2cd: {  	(v2sf) =	vpush v1, $0xF;
	_ =	sdelay $0xe  }
0x2ce: {  	s30 =	spop (v2sf)  }
0x2cf: {  	_ =	strace $0x90000051  }
0x2d0: {  	s31 =	simm.s32 $0x10040;
	_ =	strace $0x80000052  }
0x2d1: {  	v2 =	vld [tilespmem:s31+$0x30]  }
0x2d2: {  	v7 =	vld [tilespmem:s31+$0x0]  }
0x2d3: {  	v4 =	vld [tilespmem:s31+$0xFFFFFFC0]  }
0x2d4: {  	v6 =	vld [tilespmem:s31+$0xFFFFFFF0]  }
0x2d5: {  	v8 =	vld [tilespmem:s31+$0xFFFFFFE0]  }
0x2d6: {  	s6 =	sadd.s32 s7, s30;
	v13 =	vld [tilespmem:s31+$0x10]  }
0x2d7: {  	s5 =	sor.u32 s5, s6;
	v9 =	vld [tilespmem:s31+$0xFFFFFFD0]  }
0x2d8: {  	v11 =	vimm.f32 $0.0e+00;
	v1 =	vmov s5  }
0x2d9: {  	s6 =	simm.s32 $0x100C0;
	v5 =	vld [tilespmem:s31+$0x20];
	vm1 =	vlt.s32 v2, v1;
	vm2 =	vlt.s32 v7, v1;
	vm3 =	vlt.s32 v4, v1  }
0x2da: {  	v3 =	vld [tilespmem:s6+$0x30];
	v14 =	vnsel vm1, $0x0, v2;
	v4 =	vnsel vm3, $0x0, v4;
	vm1 =	vlt.s32 v6, v1  }
0x2db: {  	v2 =	vld [tilespmem:s6+$0x0];
	vm3 =	vlt.s32 v8, v1;
	v17 =	vnsel vm2, $0x0, v7;
	vm2 =	vlt.s32 v13, v1  }
0x2dc: {  	v15 =	vadd.f32 v4, v11;
	v4 =	vnsel vm1, $0x0, v6;
	v6 =	vld [tilespmem:s6+$0xFFFFFFC0];
	vm1 =	vlt.s32 v9, v1  }
0x2dd: {  	v8 =	vnsel vm3, $0x0, v8;
	v16 =	vadd.f32 v4, v11;
	v4 =	vld [tilespmem:s6+$0xFFFFFFF0];
	v9 =	vnsel vm1, $0x0, v9  }
0x2de: {  	v7 =	vld [tilespmem:s6+$0xFFFFFFE0];
	v13 =	vnsel vm2, $0x0, v13;
	v10 =	vadd.f32 v8, v11;
	v12 =	vadd.f32 v9, v11  }
0x2df: {  	s7 =	simm.s32 $0x8;
	v8 =	vld [tilespmem:s6+$0xFFFFFFD0];
	vm1 =	vlt.s32 v3, v1;
	v11 =	vadd.f32 v17, v15;
	v9 =	vadd.f32 v14, v16  }
.LBB2_31:
0x2e0: {  	s7 =	sadd.s32 $0x8, s7;
	vm2 =	vlt.s32 v2, v1;
	v14 =	vld [tilespmem:s6+$0x20];
	v12 =	vadd.f32 v13, v12;
	vm3 =	vlt.s32 v5, v1;
	v13 =	vmovc v2  }
0x2e1: {  	v16 =	vnsel vm1, $0x0, v3;
	p1 =	slt.u32 s7, $0x7F8;
	vm4 =	vlt.s32 v6, v1;
	v15 =	vld [tilespmem:s6+$0x10];
	s6 =	sadd.s32 $0x80, s6;
	v2 =	vnsel vm3, $0x0, v5  }
0x2e2: {  	v3 =	vld [tilespmem:s6+$0x30];
	v5 =	vnsel vm4, $0x0, v6;
	vm1 =	vlt.s32 v4, v1;
	v10 =	vadd.f32 v2, v10  }
.Ltmp15:
0x2e3: {  	v2 =	vld [tilespmem:s6+$0x0];
	v11 =	vadd.f32 v5, v11;
	vm3 =	vlt.s32 v7, v1;
	v4 =	vnsel vm1, $0x0, v4;
	(pc) =	sbr.rel @p1 .LBB2_31-.Ltmp15, $4  }
0x2e4: {  	v6 =	vld [tilespmem:s6+$0xFFFFFFC0];
	vm1 =	vlt.s32 v8, v1;
	v7 =	vnsel vm3, $0x0, v7;
	v9 =	vadd.f32 v4, v9  }
0x2e5: {  	v13 =	vnsel vm2, $0x0, v13;
	v4 =	vld [tilespmem:s6+$0xFFFFFFF0];
	v8 =	vnsel vm1, $0x0, v8;
	v10 =	vadd.f32 v7, v10;
	v5 =	vmovc v14  }
0x2e6: {  	v7 =	vld [tilespmem:s6+$0xFFFFFFE0];
	v12 =	vadd.f32 v8, v12;
	vm2 =	vlt.s32 v15, v1;
	v9 =	vadd.f32 v16, v9  }
0x2e7: {  	v11 =	vadd.f32 v13, v11;
	v8 =	vld [tilespmem:s6+$0xFFFFFFD0];
	vm1 =	vlt.s32 v3, v1;
	v13 =	vnsel vm2, $0x0, v15  }
0x2e8: {  	vm2 =	vlt.s32 v2, v1  }
0x2e9: {  	v12 =	vadd.f32 v13, v12;
	vm3 =	vlt.s32 v5, v1;
	v61 =	vld [tilespmem:s6+$0x10];
	v3 =	vnsel vm1, $0x0, v3  }
0x2ea: {  	v14 =	vld [tilespmem:s6+$0x20];
	vm4 =	vlt.s32 v6, v1;
	v5 =	vnsel vm3, $0x0, v5;
	v2 =	vnsel vm2, $0x0, v2  }
0x2eb: {  	v6 =	vnsel vm4, $0x0, v6;
	vm1 =	vlt.s32 v4, v1;
	v5 =	vadd.f32 v5, v10  }
0x2ec: {  	v6 =	vadd.f32 v6, v11;
	vm3 =	vlt.s32 v7, v1;
	v4 =	vnsel vm1, $0x0, v4  }
0x2ed: {  	vm1 =	vlt.s32 v8, v1;
	v7 =	vnsel vm3, $0x0, v7;
	v4 =	vadd.f32 v4, v9  }
0x2ee: {  	v8 =	vnsel vm1, $0x0, v8;
	v5 =	vadd.f32 v7, v5;
	vm1 =	vlt.s32 v61, v1  }
0x2ef: {  	vm2 =	vlt.s32 v14, v1;
	v1 =	vadd.f32 v2, v6;
	v62 =	vadd.f32 v8, v12  }
0x2f0: {  	v3 =	vadd.f32 v3, v4;
	v2 =	vnsel vm1, $0x0, v61;
	v63 =	vnsel vm2, $0x0, v14  }
0x2f1: {  	v4 =	vadd.f32 v63, v5;
	v2 =	vadd.f32 v2, v62;
	_ =	sdelay $0x1  }
0x2f2: {  	v1 =	vadd.f32 v2, v1;
	v2 =	vadd.f32 v3, v4;
	_ =	sdelay $0x1  }
0x2f3: {  	v1 =	vadd.f32 v2, v1;
	_ =	sdelay $0x1  }
0x2f4: {  	_ =	strace $0x90000052;
	s6 =	simm.s32 $0x18880;
	[tilespmem:$0x18880] =	vst v1  }
0x2f5: {  	[spmem:s3] =	stream.linear.scatter [tilespmem:s6], [sflag:$0x5], $0x10, $0x38;
	[tilespmem:$0x18AA0] =	vst v63  }
0x2f6: {  	s3 =	simm.s32 $0x5  }
0x2f7: {  	_ =	swait.ge [sflag:s3], $0x10  }
0x2f8: {  	[sflag:s3] =	ssyncset.done $0x0  }
0x2f9: {  	[sflag:s3] =	ssyncadd.s32 $0xFFFFFFF0  }
0x2fa: {  	[bflag:$0x0] =	sbarrier.arrive $0xFFFF  }
0x2fb: {  	_ =	sfence.sel @p0 $0x180000  }
0x2fc: {  	[bflag:$0x0] =	sbarrier.arrive @p0 $0xFFFF  }
0x2fd: {  	_ =	strace @p0 $0x90000047  }
0x2fe: {  	[bflag:$0x2] =	sbarrier.arrive @p0 $0xFFFF  }
0x2ff: {  	_ =	shalt @p0  }
.LBB2_33:
0x300: {  	v0 =	vnsel vm0, $0x0, v0  }
0x301: {  	(xrf0) =	vadd.scan.msk.s32 $0xffff, v0;
	_ =	sdelay $0x5  }
0x302: {  	v0, _, _ =	vpop (xrf0)  }
0x303: {  	(v2sf) =	vpush v0, $0xF;
	_ =	sdelay $0xc  }
0x304: {  	s7 =	simm.s32 $0x18890  }
0x305: {  	[tilespmem:s7], [sflag:$0x5] =	stream.linear.gather [spmem:s2], $0x100, $0x38;
	[tilespmem:$0x18AA0] =	vst v63  }
0x306: {  	s29 =	spop (v2sf)  }
0x307: {  	_ =	swait.ge [sflag:s3], $0x100  }
0x308: {  	[sflag:s3] =	ssyncset.done $0x0  }
0x309: {  	[sflag:s3] =	ssyncadd.s32 $0xFFFFFF00  }
0x30a: {  	v50 =	vld [tilespmem:$0x18890]  }
0x30b: {  	v1 =	vld [tilespmem:$0x188A0];
	_ =	sdelay $0x1  }
0x30c: {  	v2 =	vld [tilespmem:$0x188B0];
	_ =	sdelay $0x1  }
0x30d: {  	v3 =	vld [tilespmem:$0x188C0]  }
0x30e: {  	v0 =	vadd.f32 v1, v50  }
0x30f: {  	v51 =	vld [tilespmem:$0x188D0]  }
0x310: {  	v0 =	vadd.f32 v2, v0  }
0x311: {  	v52 =	vld [tilespmem:$0x188E0]  }
0x312: {  	v0 =	vadd.f32 v3, v0  }
0x313: {  	v53 =	vld [tilespmem:$0x188F0]  }
0x314: {  	v0 =	vadd.f32 v51, v0  }
0x315: {  	v54 =	vld [tilespmem:$0x18900]  }
0x316: {  	v0 =	vadd.f32 v52, v0  }
0x317: {  	v55 =	vld [tilespmem:$0x18910]  }
0x318: {  	v0 =	vadd.f32 v53, v0  }
0x319: {  	v56 =	vld [tilespmem:$0x18920]  }
0x31a: {  	v0 =	vadd.f32 v54, v0  }
0x31b: {  	v57 =	vld [tilespmem:$0x18930]  }
0x31c: {  	v0 =	vadd.f32 v55, v0  }
0x31d: {  	v58 =	vld [tilespmem:$0x18940]  }
0x31e: {  	v0 =	vadd.f32 v56, v0  }
0x31f: {  	v59 =	vld [tilespmem:$0x18950]  }
0x320: {  	v0 =	vadd.f32 v57, v0  }
0x321: {  	v60 =	vld [tilespmem:$0x18960]  }
0x322: {  	v0 =	vadd.f32 v58, v0  }
0x323: {  	v61 =	vld [tilespmem:$0x18970]  }
0x324: {  	v0 =	vadd.f32 v59, v0  }
0x325: {  	v62 =	vld [tilespmem:$0x18980]  }
0x326: {  	v0 =	vadd.f32 v60, v0;
	_ =	sdelay $0x1  }
0x327: {  	v0 =	vadd.f32 v61, v0;
	_ =	sdelay $0x1  }
0x328: {  	v0 =	vadd.f32 v62, v0;
	_ =	sdelay $0x1  }
0x329: {  	(xrf2) =	vadd.scan.msk.f32 $0xffff, v0;
	_ =	sdelay $0x9  }
0x32a: {  	v0, _, _ =	vpop (xrf2)  }
0x32b: {  	(v2sf) =	vpush v0, $0xF;
	_ =	sdelay $0x8  }
0x32c: {  	s2 =	sadd.s32 s4, s29  }
0x32d: {  	s2 =	scvt.s32.f32 s2;
	_ =	sdelay $0x1  }
0x32e: {  	s2 =	ssub.f32 $1.310720000e+05, s2;
	_ =	sdelay $0x1  }
0x32f: {  	s2 =	smul.f32 s5, s2  }
0x330: {  	s30 =	spop (v2sf)  }
0x331: {  	s2 =	sadd.f32 s30, s2;
	_ =	sdelay $0x1  }
0x332: {  	s2 =	smul.f32 $7.629394530e-06, s2;
	_ =	sdelay $0x1  }
0x333: {  	v63 =	vmov s2  }
0x334: {  	v0 =	vadd.f32 $0.0e+00, v63;
	_ =	sdelay $0x1  }
0x335: {  	v0 =	vbroadcast v0, $0x0;
	_ =	sdelay $0x1  }
0x336: {  	s31 =	simm.s32 $0x0;
	[tilespmem:$0x18880] =	vst v0  }
0x337: {  	[hbm4b:s1+s31] =	stream.linear.scatter [tilespmem:s6], [sflag:$0x5], $0x10, $0x38;
	[tilespmem:$0x18AA0] =	vst v63  }
0x338: {  	_ =	swait.ge [sflag:s3], $0x10  }
0x339: {  	[sflag:s3] =	ssyncset.done $0x0  }
0x33a: {  	[sflag:s3] =	ssyncadd.s32 $0xFFFFFFF0  }
0x33b: {  	_ =	sfence.sel $0x180000  }
0x33c: {  	[bflag:$0x0] =	sbarrier.arrive $0xFFFF  }
0x33d: {  	_ =	strace $0x90000047  }
0x33e: {  	s0 =	sadd.s32 $0x100000, s0;
	[bflag:$0x2] =	sbarrier.arrive $0xFFFF  }
0x33f: {  	[sflag:s0] =	ssyncadd.tile.s32 $0x1;
	_ =	shalt  }
.Lfunc_end2:
_tile_overlayer_lowered:
.L_overlay_start_2:
0x340: {  	(tag) =	ssettag $0x2  }
0x341: {  	s0 =	rddreg [dreg:$0x0];
	s2 =	stileid.u32  }
0x342: {  	s1 =	rddreg [dreg:$0x1];
	p0 =	sne.s32 s2, $0x0  }
0x343: {  	s3 =	rddreg [dreg:$0x2];
	[bflag:$0x3] =	sbarrier.arrive $0xFFFF;
	s2 =	simm.s32 @!p0 $0x1C05  }
0x344: {  	[timem:s3], [sflag:s2] =	dma.local @!p0 [hbm:s0], s1  }
0x345: {  	s0 =	simm.s32 @!p0 $0x5  }
0x346: {  	_ =	swait.ge @!p0 [sflag:s0], s1  }
0x347: {  	s1 =	ssub.s32 @!p0 $0x0, s1;
	[sflag:s0] =	ssyncset.done @!p0 $0x0  }
0x348: {  	[sflag:s0] =	ssyncadd.s32 @!p0 s1  }
0x349: {  	[bflag:$0x3] =	sbarrier.arrive $0xFFFF  }
0x34a: {  	_ =	shalt  }

</sc_bundles>
